<compile_context>
chip_gen: v7x
topology: tpu7x:2x2x1
jax: 0.10.2.dev20260603
libtpu: 0.0.44.dev20260713+nightly
codegen_flags: <defaults>
</compile_context>

<pallas_src>
import jax
import jax.numpy as jnp
from jax import lax
from jax.experimental import pallas as pl
from jax.experimental.pallas import tpu as pltpu
from jax.experimental.pallas import tpu_sc as plsc

BATCH = 4096
GROUPS = 512
OUT_DIM = 8
IN_W = 2 * GROUPS
OUT_W = OUT_DIM * GROUPS
NC, NS, L = 2, 16, 16
NW = NC * NS
ROWS_PER_W = BATCH // NW
NCHUNK = GROUPS // L
BR = 8


def _compute_block(xblk, oblk, pref):

    @plsc.parallel_loop(0, BR * NCHUNK, unroll=1)
    def chunk(cc):
        r4 = cc >> 5
        cl = cc & (NCHUNK - 1)
        iota = lax.iota(jnp.int32, L)
        gvec = cl * L + iota
        a0 = plsc.load_gather(xblk, [r4 * IN_W + 2 * gvec])
        a1 = plsc.load_gather(xblk, [r4 * IN_W + 2 * gvec + 1])
        abs0 = jnp.abs(a0)
        abs1 = jnp.abs(a1)
        swap = abs1 < abs0
        s0 = jnp.minimum(abs0, abs1)
        s1 = jnp.maximum(abs0, abs1)
        c0 = s0
        c1 = s1 - s0
        asmall = jnp.where(swap, a1, a0)
        alarge = jnp.where(swap, a0, a1)
        sg0 = (asmall >= 0).astype(jnp.int32)
        sg1 = (alarge >= 0).astype(jnp.int32)
        swi = swap.astype(jnp.int32)
        m1 = jnp.where(alarge >= 0, 3 - swi, swi)
        m0 = sg0 + sg1 + jnp.where(swap, sg0, sg1)
        b0 = gvec * 64 + m0 * 8
        b1 = gvec * 64 + 32 + m1 * 8
        ov = r4 * OUT_W + 8 * gvec
        for d in range(OUT_DIM):
            p0 = plsc.load_gather(pref, [b0 + d])
            p1 = plsc.load_gather(pref, [b1 + d])
            o = c0 * p0 + c1 * p1
            plsc.store_scatter(oblk, [ov + d], o)


def _sc_kernel(x_hbm, p_hbm, out_hbm, xb0, xb1, ob0, ob1, pbuf,
               psem, isem0, isem1, osem0, osem1):
    wid = lax.axis_index("s") * NC + lax.axis_index("c")
    rbase = wid * ROWS_PER_W
    xbs, obs = (xb0, xb1), (ob0, ob1)
    isems, osems = (isem0, isem1), (osem0, osem1)

    def in_copy(r, p):
        return pltpu.make_async_copy(
            x_hbm.at[pl.ds(r * IN_W, BR * IN_W)], xbs[p], isems[p])

    def out_copy(r, p):
        return pltpu.make_async_copy(
            obs[p], out_hbm.at[pl.ds(r * OUT_W, BR * OUT_W)], osems[p])

    pcopy = pltpu.make_async_copy(p_hbm, pbuf, psem)
    pcopy.start()
    in_copy(rbase, 0).start()
    in_copy(rbase + BR, 1).start()
    pcopy.wait()

    nit = ROWS_PER_W // (2 * BR)

    def block_pair(rr, carry):
        for p in range(2):
            r = rbase + (2 * rr + p) * BR
            in_copy(r, p).wait()

            @pl.when(rr > 0)
            def _():
                out_copy(r - 2 * BR, p).wait()

            _compute_block(xbs[p], obs[p], pbuf)

            @pl.when(rr < nit - 1)
            def _():
                in_copy(r + 2 * BR, p).start()

            out_copy(r, p).start()
        return carry

    lax.fori_loop(0, nit, block_pair, jnp.int32(0))
    out_copy(rbase + ROWS_PER_W - 2 * BR, 0).wait()
    out_copy(rbase + ROWS_PER_W - BR, 1).wait()


@jax.jit
def _run(x_flat, p_packed):
    mesh = plsc.VectorSubcoreMesh(core_axis_name="c", subcore_axis_name="s")
    f = pl.kernel(
        _sc_kernel,
        out_type=jax.ShapeDtypeStruct((BATCH * OUT_W,), jnp.float32),
        mesh=mesh,
        scratch_types=[
            pltpu.VMEM((BR * IN_W,), jnp.float32),
            pltpu.VMEM((BR * IN_W,), jnp.float32),
            pltpu.VMEM((BR * OUT_W,), jnp.float32),
            pltpu.VMEM((BR * OUT_W,), jnp.float32),
            pltpu.VMEM((GROUPS * 64,), jnp.float32),
            pltpu.SemaphoreType.DMA,
            pltpu.SemaphoreType.DMA,
            pltpu.SemaphoreType.DMA,
            pltpu.SemaphoreType.DMA,
            pltpu.SemaphoreType.DMA,
        ],
        compiler_params=pltpu.CompilerParams(
            needs_layout_passes=False, use_tc_tiling_on_sc=True),
    )
    return f(x_flat, p_packed)


def kernel(X, params):
    p_packed = params[:, jnp.array([0, 2, 6, 8, 1, 3, 5, 7]), :].reshape(-1)
    out_flat = _run(X.reshape(-1), p_packed)
    return out_flat.reshape(BATCH, OUT_W)

# --- scband reference (transcript-rebuilt; emitter-appended) ---
"""Pipeline reference for scband-high-order-activation-b-89446988906950 (READ-ONLY COPY).

The authoritative reference and input builder live on the scoring server;
editing this copy changes nothing except your own understanding.
"""

import jax, jax.numpy as jnp
import numpy as np

ARITY = 2
GROUPS = 512
OUT_DIM = 8
ACT_FACTOR = 1.0
BATCH = 4096


def setup_inputs(seed: int = 0) -> dict:
    key = jax.random.key(seed)
    k1, k2 = jax.random.split(key)
    X = jax.random.normal(k1, (BATCH, GROUPS * ARITY), dtype=jnp.float32)
    params = jax.random.normal(k2, (GROUPS, 3 ** ARITY, OUT_DIM), dtype=jnp.float32)
    return {"X": X, "params": params}


def _high_order_act_b(A, params):
    # A: [B, G, arity], params: [G, 3**arity, out_dim]
    arity = A.shape[2]
    ref_ind = sum(3 ** i for i in range(arity))
    A_abs = jnp.abs(A)
    A_ind = jnp.argsort(A_abs, axis=2)
    A_sort = jnp.take_along_axis(A_abs, A_ind, axis=2)
    A_sgn = jnp.where(A >= 0, 1, -1).astype(jnp.int32)
    A_sgn = jnp.take_along_axis(A_sgn, A_ind, axis=2)
    A_diff = A_sort[:, :, 1:] - A_sort[:, :, :-1]
    coef = jnp.concatenate([A_sort[:, :, 0:1], A_diff], axis=2)
    powers = 3 ** A_ind
    params_A_ind = jnp.flip(jnp.cumsum(jnp.flip(A_sgn * powers, axis=2), axis=2), axis=2) + ref_ind
    # params_gather[g, b, k, :] = params[g, params_A_ind[b, g, k], :]
    ind1b = jnp.transpose(params_A_ind, (1, 0, 2))  # [G, B, arity]
    ind0b = jnp.arange(params.shape[0])[:, None, None]  # [G, 1, 1]
    params_gather = params[ind0b, ind1b, :]  # [G, B, arity, out_dim]
    out = jnp.einsum('jikl,ijk->ijl', params_gather, coef)  # [B, G, out_dim]
    return out


def reference(X, params):
    B = X.shape[0]
    X1 = X.reshape(B, GROUPS, ARITY)
    out1 = _high_order_act_b(X1, params)
    out = out1.reshape(B, GROUPS * OUT_DIM) * ACT_FACTOR
    return out

if __name__ == "__main__":
    import jax
    _d = setup_inputs()
    print(jax.jit(kernel)(*tuple(_d.values())))

</pallas_src>

<mosaic_0001>
#map = affine_map<(d0, d1) -> (0)>
module attributes {stable_mosaic.version = 14 : i64} {
  func.func @_sc_kernel(%arg0: i32, %arg1: i32, %arg2: memref<4194304xf32, #tpu.memory_space<hbm>>, %arg3: memref<32768xf32, #tpu.memory_space<hbm>>, %arg4: memref<16777216xf32, #tpu.memory_space<hbm>>, %arg5: memref<8192xf32, #tpu.memory_space<vmem>>, %arg6: memref<8192xf32, #tpu.memory_space<vmem>>, %arg7: memref<32768xf32, #tpu.memory_space<vmem>>, %arg8: memref<32768xf32, #tpu.memory_space<vmem>>, %arg9: memref<32768xf32, #tpu.memory_space<vmem>>, %arg10: memref<!tpu.dma_semaphore, #tpu.memory_space<semaphore_mem>>, %arg11: memref<!tpu.dma_semaphore, #tpu.memory_space<semaphore_mem>>, %arg12: memref<!tpu.dma_semaphore, #tpu.memory_space<semaphore_mem>>, %arg13: memref<!tpu.dma_semaphore, #tpu.memory_space<semaphore_mem>>, %arg14: memref<!tpu.dma_semaphore, #tpu.memory_space<semaphore_mem>>) attributes {dimension_semantics = [#tpu.dimension_semantics<core_parallel>, #tpu.dimension_semantics<subcore_parallel>], iteration_bounds = array<i64: 2, 16>, scalar_prefetch = 0 : i64, scratch_operands = 10 : i64, tpu.core_type = #tpu.core_type<sc_vector_subcore>, window_params = [{transform_indices = #map}, {transform_indices = #map}, {transform_indices = #map}]} {
    %mul3A = arith.constant 2 : i32
    %mul3A_0 = arith.muli %arg1, %mul3A : i32
    %add3A = arith.addi %mul3A_0, %arg0 : i32
    %mul3A_1 = arith.constant 128 : i32
    %mul3A_2 = arith.muli %add3A, %mul3A_1 : i32
    tpu.enqueue_dma source(%arg3 : memref<32768xf32, #tpu.memory_space<hbm>>) target(%arg9 : memref<32768xf32, #tpu.memory_space<vmem>>) target_semaphore(%arg10 : memref<!tpu.dma_semaphore, #tpu.memory_space<semaphore_mem>>)
    %mul3A_3 = arith.constant 1024 : i32
    %mul3A_4 = arith.muli %mul3A_2, %mul3A_3 : i32
    %dma_start3A = tpu.memref_slice %arg2[%mul3A_4] : memref<4194304xf32, #tpu.memory_space<hbm>> -> memref<8192xf32, #tpu.memory_space<hbm>>
    %dma_start3A_5 = tpu.memref_slice %arg2[%mul3A_4] : memref<4194304xf32, #tpu.memory_space<hbm>> -> memref<8192xf32, #tpu.memory_space<hbm>>
    tpu.enqueue_dma source(%dma_start3A_5 : memref<8192xf32, #tpu.memory_space<hbm>>) target(%arg5 : memref<8192xf32, #tpu.memory_space<vmem>>) target_semaphore(%arg11 : memref<!tpu.dma_semaphore, #tpu.memory_space<semaphore_mem>>)
    %add3A_6 = arith.constant 8 : i32
    %add3A_7 = arith.addi %mul3A_2, %add3A_6 : i32
    %mul3A_8 = arith.constant 1024 : i32
    %mul3A_9 = arith.muli %add3A_7, %mul3A_8 : i32
    %dma_start3A_10 = tpu.memref_slice %arg2[%mul3A_9] : memref<4194304xf32, #tpu.memory_space<hbm>> -> memref<8192xf32, #tpu.memory_space<hbm>>
    %dma_start3A_11 = tpu.memref_slice %arg2[%mul3A_9] : memref<4194304xf32, #tpu.memory_space<hbm>> -> memref<8192xf32, #tpu.memory_space<hbm>>
    tpu.enqueue_dma source(%dma_start3A_11 : memref<8192xf32, #tpu.memory_space<hbm>>) target(%arg6 : memref<8192xf32, #tpu.memory_space<vmem>>) target_semaphore(%arg12 : memref<!tpu.dma_semaphore, #tpu.memory_space<semaphore_mem>>)
    tpu.wait_dma2 semaphore(%arg10 : memref<!tpu.dma_semaphore, #tpu.memory_space<semaphore_mem>>) src(%arg3 : memref<32768xf32, #tpu.memory_space<hbm>>) dst(%arg9 : memref<32768xf32, #tpu.memory_space<vmem>>)
    %scan3A = arith.constant 0 : i32
    %scan3A_12 = arith.constant 0 : i32
    %scan3A_13 = arith.constant 8 : i32
    %scan3A_14 = arith.addi %scan3A_12, %scan3A_13 : i32
    %scan3A_15 = arith.constant 1 : i32
    scf.for %scan3A_31 = %scan3A_12 to %scan3A_14 step %scan3A_15  : i32 {
      %mul3A_32 = arith.constant 2 : i32
      %mul3A_33 = arith.muli %mul3A_32, %scan3A_31 : i32
      %add3A_34 = arith.constant 0 : i32
      %add3A_35 = arith.addi %mul3A_33, %add3A_34 : i32
      %mul3A_36 = arith.constant 8 : i32
      %mul3A_37 = arith.muli %add3A_35, %mul3A_36 : i32
      %add3A_38 = arith.addi %mul3A_2, %mul3A_37 : i32
      %mul3A_39 = arith.constant 1024 : i32
      %mul3A_40 = arith.muli %add3A_38, %mul3A_39 : i32
      %dma_wait3A_41 = tpu.memref_slice %arg2[%mul3A_40] : memref<4194304xf32, #tpu.memory_space<hbm>> -> memref<8192xf32, #tpu.memory_space<hbm>>
      %dma_wait3A_42 = tpu.memref_slice %arg2[%mul3A_40] : memref<4194304xf32, #tpu.memory_space<hbm>> -> memref<8192xf32, #tpu.memory_space<hbm>>
      tpu.wait_dma2 semaphore(%arg11 : memref<!tpu.dma_semaphore, #tpu.memory_space<semaphore_mem>>) src(%dma_wait3A_42 : memref<8192xf32, #tpu.memory_space<hbm>>) dst(%arg5 : memref<8192xf32, #tpu.memory_space<vmem>>)
      %gt3A = arith.constant 0 : i32
      %gt3A_43 = arith.cmpi sgt, %scan3A_31, %gt3A : i32
      %convert_element_type3A = arith.extui %gt3A_43 : i1 to i32
      %cond3A = arith.constant 0 : i32
      %cond3A_44 = arith.cmpi ne, %convert_element_type3A, %cond3A : i32
      scf.if %cond3A_44 {
        %sub3A_83 = arith.constant 16 : i32
        %sub3A_84 = arith.subi %add3A_38, %sub3A_83 : i32
        %mul3A_85 = arith.constant 4096 : i32
        %mul3A_86 = arith.muli %sub3A_84, %mul3A_85 : i32
        %dma_wait3A_87 = tpu.memref_slice %arg4[%mul3A_86] : memref<16777216xf32, #tpu.memory_space<hbm>> -> memref<32768xf32, #tpu.memory_space<hbm>>
        %dma_wait3A_88 = tpu.memref_slice %arg4[%mul3A_86] : memref<16777216xf32, #tpu.memory_space<hbm>> -> memref<32768xf32, #tpu.memory_space<hbm>>
        tpu.wait_dma2 semaphore(%arg13 : memref<!tpu.dma_semaphore, #tpu.memory_space<semaphore_mem>>) src(%arg7 : memref<32768xf32, #tpu.memory_space<vmem>>) dst(%dma_wait3A_88 : memref<32768xf32, #tpu.memory_space<hbm>>)
      } else {
      }
      %parallel_loop3A = arith.constant 0 : i32
      %parallel_loop3A_45 = arith.constant 256 : i32
      %parallel_loop3A_46 = arith.constant 1 : i32
      scf.for %parallel_loop3A_83 = %parallel_loop3A to %parallel_loop3A_45 step %parallel_loop3A_46  : i32 {
        %parallel_loop3A_84 = arith.constant 5 : i32
        %parallel_loop3A_85 = arith.shrsi %parallel_loop3A_83, %parallel_loop3A_84 : i32
        %parallel_loop3A_86 = arith.constant 31 : i32
        %parallel_loop3A_87 = arith.andi %parallel_loop3A_83, %parallel_loop3A_86 : i32
        %parallel_loop3A_88 = tpu.iota {dimensions = array<i32: 0>} : vector<16xi32>
        %parallel_loop3A_89 = arith.constant 16 : i32
        %parallel_loop3A_90 = arith.muli %parallel_loop3A_87, %parallel_loop3A_89 : i32
        %parallel_loop3A_91 = vector.broadcast %parallel_loop3A_90 : i32 to vector<16xi32>
        %parallel_loop3A_92 = arith.addi %parallel_loop3A_91, %parallel_loop3A_88 : vector<16xi32>
        %parallel_loop3A_93 = arith.constant 1024 : i32
        %parallel_loop3A_94 = arith.muli %parallel_loop3A_85, %parallel_loop3A_93 : i32
        %parallel_loop3A_95 = arith.constant 2 : i32
        %parallel_loop3A_96 = vector.broadcast %parallel_loop3A_95 : i32 to vector<16xi32>
        %parallel_loop3A_97 = arith.muli %parallel_loop3A_96, %parallel_loop3A_92 : vector<16xi32>
        %parallel_loop3A_98 = vector.broadcast %parallel_loop3A_94 : i32 to vector<16xi32>
        %parallel_loop3A_99 = arith.addi %parallel_loop3A_98, %parallel_loop3A_97 : vector<16xi32>
        %parallel_loop3A_100 = tpu.vector_load_idx %arg5[%parallel_loop3A_99] : memref<8192xf32, #tpu.memory_space<vmem>>[vector<16xi32>], vector<16xf32>,
        %parallel_loop3A_101 = arith.constant 1024 : i32
        %parallel_loop3A_102 = arith.muli %parallel_loop3A_85, %parallel_loop3A_101 : i32
        %parallel_loop3A_103 = arith.constant 2 : i32
        %parallel_loop3A_104 = vector.broadcast %parallel_loop3A_103 : i32 to vector<16xi32>
        %parallel_loop3A_105 = arith.muli %parallel_loop3A_104, %parallel_loop3A_92 : vector<16xi32>
        %parallel_loop3A_106 = vector.broadcast %parallel_loop3A_102 : i32 to vector<16xi32>
        %parallel_loop3A_107 = arith.addi %parallel_loop3A_106, %parallel_loop3A_105 : vector<16xi32>
        %parallel_loop3A_108 = arith.constant 1 : i32
        %parallel_loop3A_109 = vector.broadcast %parallel_loop3A_108 : i32 to vector<16xi32>
        %parallel_loop3A_110 = arith.addi %parallel_loop3A_107, %parallel_loop3A_109 : vector<16xi32>
        %parallel_loop3A_111 = tpu.vector_load_idx %arg5[%parallel_loop3A_110] : memref<8192xf32, #tpu.memory_space<vmem>>[vector<16xi32>], vector<16xf32>,
        %parallel_loop3A_112 = math.absf %parallel_loop3A_100 : vector<16xf32>
        %parallel_loop3A_113 = math.absf %parallel_loop3A_111 : vector<16xf32>
        %parallel_loop3A_114 = arith.cmpf olt, %parallel_loop3A_113, %parallel_loop3A_112 : vector<16xf32>
        %parallel_loop3A_115 = arith.minimumf %parallel_loop3A_112, %parallel_loop3A_113 : vector<16xf32>
        %parallel_loop3A_116 = arith.maximumf %parallel_loop3A_112, %parallel_loop3A_113 : vector<16xf32>
        %parallel_loop3A_117 = arith.subf %parallel_loop3A_116, %parallel_loop3A_115 : vector<16xf32>
        %parallel_loop3A_118 = arith.select %parallel_loop3A_114, %parallel_loop3A_111, %parallel_loop3A_100 : vector<16xi1>, vector<16xf32>
        %parallel_loop3A_119 = arith.select %parallel_loop3A_114, %parallel_loop3A_100, %parallel_loop3A_111 : vector<16xi1>, vector<16xf32>
        %parallel_loop3A_120 = arith.constant 0.000000e+00 : f32
        %parallel_loop3A_121 = vector.broadcast %parallel_loop3A_120 : f32 to vector<16xf32>
        %parallel_loop3A_122 = arith.cmpf oge, %parallel_loop3A_118, %parallel_loop3A_121 : vector<16xf32>
        %parallel_loop3A_123 = arith.extui %parallel_loop3A_122 : vector<16xi1> to vector<16xi32>
        %parallel_loop3A_124 = arith.constant 0.000000e+00 : f32
        %parallel_loop3A_125 = vector.broadcast %parallel_loop3A_124 : f32 to vector<16xf32>
        %parallel_loop3A_126 = arith.cmpf oge, %parallel_loop3A_119, %parallel_loop3A_125 : vector<16xf32>
        %parallel_loop3A_127 = arith.extui %parallel_loop3A_126 : vector<16xi1> to vector<16xi32>
        %parallel_loop3A_128 = arith.extui %parallel_loop3A_114 : vector<16xi1> to vector<16xi32>
        %parallel_loop3A_129 = arith.constant 0.000000e+00 : f32
        %parallel_loop3A_130 = vector.broadcast %parallel_loop3A_129 : f32 to vector<16xf32>
        %parallel_loop3A_131 = arith.cmpf oge, %parallel_loop3A_119, %parallel_loop3A_130 : vector<16xf32>
        %parallel_loop3A_132 = arith.constant 3 : i32
        %parallel_loop3A_133 = vector.broadcast %parallel_loop3A_132 : i32 to vector<16xi32>
        %parallel_loop3A_134 = arith.subi %parallel_loop3A_133, %parallel_loop3A_128 : vector<16xi32>
        %parallel_loop3A_135 = arith.select %parallel_loop3A_131, %parallel_loop3A_134, %parallel_loop3A_128 : vector<16xi1>, vector<16xi32>
        %parallel_loop3A_136 = arith.addi %parallel_loop3A_123, %parallel_loop3A_127 : vector<16xi32>
        %parallel_loop3A_137 = arith.select %parallel_loop3A_114, %parallel_loop3A_123, %parallel_loop3A_127 : vector<16xi1>, vector<16xi32>
        %parallel_loop3A_138 = arith.addi %parallel_loop3A_136, %parallel_loop3A_137 : vector<16xi32>
        %parallel_loop3A_139 = arith.constant 64 : i32
        %parallel_loop3A_140 = vector.broadcast %parallel_loop3A_139 : i32 to vector<16xi32>
        %parallel_loop3A_141 = arith.muli %parallel_loop3A_92, %parallel_loop3A_140 : vector<16xi32>
        %parallel_loop3A_142 = arith.constant 8 : i32
        %parallel_loop3A_143 = vector.broadcast %parallel_loop3A_142 : i32 to vector<16xi32>
        %parallel_loop3A_144 = arith.muli %parallel_loop3A_138, %parallel_loop3A_143 : vector<16xi32>
        %parallel_loop3A_145 = arith.addi %parallel_loop3A_141, %parallel_loop3A_144 : vector<16xi32>
        %parallel_loop3A_146 = arith.constant 64 : i32
        %parallel_loop3A_147 = vector.broadcast %parallel_loop3A_146 : i32 to vector<16xi32>
        %parallel_loop3A_148 = arith.muli %parallel_loop3A_92, %parallel_loop3A_147 : vector<16xi32>
        %parallel_loop3A_149 = arith.constant 32 : i32
        %parallel_loop3A_150 = vector.broadcast %parallel_loop3A_149 : i32 to vector<16xi32>
        %parallel_loop3A_151 = arith.addi %parallel_loop3A_148, %parallel_loop3A_150 : vector<16xi32>
        %parallel_loop3A_152 = arith.constant 8 : i32
        %parallel_loop3A_153 = vector.broadcast %parallel_loop3A_152 : i32 to vector<16xi32>
        %parallel_loop3A_154 = arith.muli %parallel_loop3A_135, %parallel_loop3A_153 : vector<16xi32>
        %parallel_loop3A_155 = arith.addi %parallel_loop3A_151, %parallel_loop3A_154 : vector<16xi32>
        %parallel_loop3A_156 = arith.constant 4096 : i32
        %parallel_loop3A_157 = arith.muli %parallel_loop3A_85, %parallel_loop3A_156 : i32
        %parallel_loop3A_158 = arith.constant 8 : i32
        %parallel_loop3A_159 = vector.broadcast %parallel_loop3A_158 : i32 to vector<16xi32>
        %parallel_loop3A_160 = arith.muli %parallel_loop3A_159, %parallel_loop3A_92 : vector<16xi32>
        %parallel_loop3A_161 = vector.broadcast %parallel_loop3A_157 : i32 to vector<16xi32>
        %parallel_loop3A_162 = arith.addi %parallel_loop3A_161, %parallel_loop3A_160 : vector<16xi32>
        %parallel_loop3A_163 = arith.constant 0 : i32
        %parallel_loop3A_164 = vector.broadcast %parallel_loop3A_163 : i32 to vector<16xi32>
        %parallel_loop3A_165 = arith.addi %parallel_loop3A_145, %parallel_loop3A_164 : vector<16xi32>
        %parallel_loop3A_166 = tpu.vector_load_idx %arg9[%parallel_loop3A_165] : memref<32768xf32, #tpu.memory_space<vmem>>[vector<16xi32>], vector<16xf32>,
        %parallel_loop3A_167 = arith.constant 0 : i32
        %parallel_loop3A_168 = vector.broadcast %parallel_loop3A_167 : i32 to vector<16xi32>
        %parallel_loop3A_169 = arith.addi %parallel_loop3A_155, %parallel_loop3A_168 : vector<16xi32>
        %parallel_loop3A_170 = tpu.vector_load_idx %arg9[%parallel_loop3A_169] : memref<32768xf32, #tpu.memory_space<vmem>>[vector<16xi32>], vector<16xf32>,
        %parallel_loop3A_171 = arith.mulf %parallel_loop3A_115, %parallel_loop3A_166 : vector<16xf32>
        %parallel_loop3A_172 = arith.mulf %parallel_loop3A_117, %parallel_loop3A_170 : vector<16xf32>
        %parallel_loop3A_173 = arith.addf %parallel_loop3A_171, %parallel_loop3A_172 : vector<16xf32>
        %parallel_loop3A_174 = arith.constant 0 : i32
        %parallel_loop3A_175 = vector.broadcast %parallel_loop3A_174 : i32 to vector<16xi32>
        %parallel_loop3A_176 = arith.addi %parallel_loop3A_162, %parallel_loop3A_175 : vector<16xi32>
        tpu.vector_store_idx %arg7[%parallel_loop3A_176], %parallel_loop3A_173 : memref<32768xf32, #tpu.memory_space<vmem>>[vector<16xi32>], vector<16xf32>,
        %parallel_loop3A_177 = arith.constant 1 : i32
        %parallel_loop3A_178 = vector.broadcast %parallel_loop3A_177 : i32 to vector<16xi32>
        %parallel_loop3A_179 = arith.addi %parallel_loop3A_145, %parallel_loop3A_178 : vector<16xi32>
        %parallel_loop3A_180 = tpu.vector_load_idx %arg9[%parallel_loop3A_179] : memref<32768xf32, #tpu.memory_space<vmem>>[vector<16xi32>], vector<16xf32>,
        %parallel_loop3A_181 = arith.constant 1 : i32
        %parallel_loop3A_182 = vector.broadcast %parallel_loop3A_181 : i32 to vector<16xi32>
        %parallel_loop3A_183 = arith.addi %parallel_loop3A_155, %parallel_loop3A_182 : vector<16xi32>
        %parallel_loop3A_184 = tpu.vector_load_idx %arg9[%parallel_loop3A_183] : memref<32768xf32, #tpu.memory_space<vmem>>[vector<16xi32>], vector<16xf32>,
        %parallel_loop3A_185 = arith.mulf %parallel_loop3A_115, %parallel_loop3A_180 : vector<16xf32>
        %parallel_loop3A_186 = arith.mulf %parallel_loop3A_117, %parallel_loop3A_184 : vector<16xf32>
        %parallel_loop3A_187 = arith.addf %parallel_loop3A_185, %parallel_loop3A_186 : vector<16xf32>
        %parallel_loop3A_188 = arith.constant 1 : i32
        %parallel_loop3A_189 = vector.broadcast %parallel_loop3A_188 : i32 to vector<16xi32>
        %parallel_loop3A_190 = arith.addi %parallel_loop3A_162, %parallel_loop3A_189 : vector<16xi32>
        tpu.vector_store_idx %arg7[%parallel_loop3A_190], %parallel_loop3A_187 : memref<32768xf32, #tpu.memory_space<vmem>>[vector<16xi32>], vector<16xf32>,
        %parallel_loop3A_191 = arith.constant 2 : i32
        %parallel_loop3A_192 = vector.broadcast %parallel_loop3A_191 : i32 to vector<16xi32>
        %parallel_loop3A_193 = arith.addi %parallel_loop3A_145, %parallel_loop3A_192 : vector<16xi32>
        %parallel_loop3A_194 = tpu.vector_load_idx %arg9[%parallel_loop3A_193] : memref<32768xf32, #tpu.memory_space<vmem>>[vector<16xi32>], vector<16xf32>,
        %parallel_loop3A_195 = arith.constant 2 : i32
        %parallel_loop3A_196 = vector.broadcast %parallel_loop3A_195 : i32 to vector<16xi32>
        %parallel_loop3A_197 = arith.addi %parallel_loop3A_155, %parallel_loop3A_196 : vector<16xi32>
        %parallel_loop3A_198 = tpu.vector_load_idx %arg9[%parallel_loop3A_197] : memref<32768xf32, #tpu.memory_space<vmem>>[vector<16xi32>], vector<16xf32>,
        %parallel_loop3A_199 = arith.mulf %parallel_loop3A_115, %parallel_loop3A_194 : vector<16xf32>
        %parallel_loop3A_200 = arith.mulf %parallel_loop3A_117, %parallel_loop3A_198 : vector<16xf32>
        %parallel_loop3A_201 = arith.addf %parallel_loop3A_199, %parallel_loop3A_200 : vector<16xf32>
        %parallel_loop3A_202 = arith.constant 2 : i32
        %parallel_loop3A_203 = vector.broadcast %parallel_loop3A_202 : i32 to vector<16xi32>
        %parallel_loop3A_204 = arith.addi %parallel_loop3A_162, %parallel_loop3A_203 : vector<16xi32>
        tpu.vector_store_idx %arg7[%parallel_loop3A_204], %parallel_loop3A_201 : memref<32768xf32, #tpu.memory_space<vmem>>[vector<16xi32>], vector<16xf32>,
        %parallel_loop3A_205 = arith.constant 3 : i32
        %parallel_loop3A_206 = vector.broadcast %parallel_loop3A_205 : i32 to vector<16xi32>
        %parallel_loop3A_207 = arith.addi %parallel_loop3A_145, %parallel_loop3A_206 : vector<16xi32>
        %parallel_loop3A_208 = tpu.vector_load_idx %arg9[%parallel_loop3A_207] : memref<32768xf32, #tpu.memory_space<vmem>>[vector<16xi32>], vector<16xf32>,
        %parallel_loop3A_209 = arith.constant 3 : i32
        %parallel_loop3A_210 = vector.broadcast %parallel_loop3A_209 : i32 to vector<16xi32>
        %parallel_loop3A_211 = arith.addi %parallel_loop3A_155, %parallel_loop3A_210 : vector<16xi32>
        %parallel_loop3A_212 = tpu.vector_load_idx %arg9[%parallel_loop3A_211] : memref<32768xf32, #tpu.memory_space<vmem>>[vector<16xi32>], vector<16xf32>,
        %parallel_loop3A_213 = arith.mulf %parallel_loop3A_115, %parallel_loop3A_208 : vector<16xf32>
        %parallel_loop3A_214 = arith.mulf %parallel_loop3A_117, %parallel_loop3A_212 : vector<16xf32>
        %parallel_loop3A_215 = arith.addf %parallel_loop3A_213, %parallel_loop3A_214 : vector<16xf32>
        %parallel_loop3A_216 = arith.constant 3 : i32
        %parallel_loop3A_217 = vector.broadcast %parallel_loop3A_216 : i32 to vector<16xi32>
        %parallel_loop3A_218 = arith.addi %parallel_loop3A_162, %parallel_loop3A_217 : vector<16xi32>
        tpu.vector_store_idx %arg7[%parallel_loop3A_218], %parallel_loop3A_215 : memref<32768xf32, #tpu.memory_space<vmem>>[vector<16xi32>], vector<16xf32>,
        %parallel_loop3A_219 = arith.constant 4 : i32
        %parallel_loop3A_220 = vector.broadcast %parallel_loop3A_219 : i32 to vector<16xi32>
        %parallel_loop3A_221 = arith.addi %parallel_loop3A_145, %parallel_loop3A_220 : vector<16xi32>
        %parallel_loop3A_222 = tpu.vector_load_idx %arg9[%parallel_loop3A_221] : memref<32768xf32, #tpu.memory_space<vmem>>[vector<16xi32>], vector<16xf32>,
        %parallel_loop3A_223 = arith.constant 4 : i32
        %parallel_loop3A_224 = vector.broadcast %parallel_loop3A_223 : i32 to vector<16xi32>
        %parallel_loop3A_225 = arith.addi %parallel_loop3A_155, %parallel_loop3A_224 : vector<16xi32>
        %parallel_loop3A_226 = tpu.vector_load_idx %arg9[%parallel_loop3A_225] : memref<32768xf32, #tpu.memory_space<vmem>>[vector<16xi32>], vector<16xf32>,
        %parallel_loop3A_227 = arith.mulf %parallel_loop3A_115, %parallel_loop3A_222 : vector<16xf32>
        %parallel_loop3A_228 = arith.mulf %parallel_loop3A_117, %parallel_loop3A_226 : vector<16xf32>
        %parallel_loop3A_229 = arith.addf %parallel_loop3A_227, %parallel_loop3A_228 : vector<16xf32>
        %parallel_loop3A_230 = arith.constant 4 : i32
        %parallel_loop3A_231 = vector.broadcast %parallel_loop3A_230 : i32 to vector<16xi32>
        %parallel_loop3A_232 = arith.addi %parallel_loop3A_162, %parallel_loop3A_231 : vector<16xi32>
        tpu.vector_store_idx %arg7[%parallel_loop3A_232], %parallel_loop3A_229 : memref<32768xf32, #tpu.memory_space<vmem>>[vector<16xi32>], vector<16xf32>,
        %parallel_loop3A_233 = arith.constant 5 : i32
        %parallel_loop3A_234 = vector.broadcast %parallel_loop3A_233 : i32 to vector<16xi32>
        %parallel_loop3A_235 = arith.addi %parallel_loop3A_145, %parallel_loop3A_234 : vector<16xi32>
        %parallel_loop3A_236 = tpu.vector_load_idx %arg9[%parallel_loop3A_235] : memref<32768xf32, #tpu.memory_space<vmem>>[vector<16xi32>], vector<16xf32>,
        %parallel_loop3A_237 = arith.constant 5 : i32
        %parallel_loop3A_238 = vector.broadcast %parallel_loop3A_237 : i32 to vector<16xi32>
        %parallel_loop3A_239 = arith.addi %parallel_loop3A_155, %parallel_loop3A_238 : vector<16xi32>
        %parallel_loop3A_240 = tpu.vector_load_idx %arg9[%parallel_loop3A_239] : memref<32768xf32, #tpu.memory_space<vmem>>[vector<16xi32>], vector<16xf32>,
        %parallel_loop3A_241 = arith.mulf %parallel_loop3A_115, %parallel_loop3A_236 : vector<16xf32>
        %parallel_loop3A_242 = arith.mulf %parallel_loop3A_117, %parallel_loop3A_240 : vector<16xf32>
        %parallel_loop3A_243 = arith.addf %parallel_loop3A_241, %parallel_loop3A_242 : vector<16xf32>
        %parallel_loop3A_244 = arith.constant 5 : i32
        %parallel_loop3A_245 = vector.broadcast %parallel_loop3A_244 : i32 to vector<16xi32>
        %parallel_loop3A_246 = arith.addi %parallel_loop3A_162, %parallel_loop3A_245 : vector<16xi32>
        tpu.vector_store_idx %arg7[%parallel_loop3A_246], %parallel_loop3A_243 : memref<32768xf32, #tpu.memory_space<vmem>>[vector<16xi32>], vector<16xf32>,
        %parallel_loop3A_247 = arith.constant 6 : i32
        %parallel_loop3A_248 = vector.broadcast %parallel_loop3A_247 : i32 to vector<16xi32>
        %parallel_loop3A_249 = arith.addi %parallel_loop3A_145, %parallel_loop3A_248 : vector<16xi32>
        %parallel_loop3A_250 = tpu.vector_load_idx %arg9[%parallel_loop3A_249] : memref<32768xf32, #tpu.memory_space<vmem>>[vector<16xi32>], vector<16xf32>,
        %parallel_loop3A_251 = arith.constant 6 : i32
        %parallel_loop3A_252 = vector.broadcast %parallel_loop3A_251 : i32 to vector<16xi32>
        %parallel_loop3A_253 = arith.addi %parallel_loop3A_155, %parallel_loop3A_252 : vector<16xi32>
        %parallel_loop3A_254 = tpu.vector_load_idx %arg9[%parallel_loop3A_253] : memref<32768xf32, #tpu.memory_space<vmem>>[vector<16xi32>], vector<16xf32>,
        %parallel_loop3A_255 = arith.mulf %parallel_loop3A_115, %parallel_loop3A_250 : vector<16xf32>
        %parallel_loop3A_256 = arith.mulf %parallel_loop3A_117, %parallel_loop3A_254 : vector<16xf32>
        %parallel_loop3A_257 = arith.addf %parallel_loop3A_255, %parallel_loop3A_256 : vector<16xf32>
        %parallel_loop3A_258 = arith.constant 6 : i32
        %parallel_loop3A_259 = vector.broadcast %parallel_loop3A_258 : i32 to vector<16xi32>
        %parallel_loop3A_260 = arith.addi %parallel_loop3A_162, %parallel_loop3A_259 : vector<16xi32>
        tpu.vector_store_idx %arg7[%parallel_loop3A_260], %parallel_loop3A_257 : memref<32768xf32, #tpu.memory_space<vmem>>[vector<16xi32>], vector<16xf32>,
        %parallel_loop3A_261 = arith.constant 7 : i32
        %parallel_loop3A_262 = vector.broadcast %parallel_loop3A_261 : i32 to vector<16xi32>
        %parallel_loop3A_263 = arith.addi %parallel_loop3A_145, %parallel_loop3A_262 : vector<16xi32>
        %parallel_loop3A_264 = tpu.vector_load_idx %arg9[%parallel_loop3A_263] : memref<32768xf32, #tpu.memory_space<vmem>>[vector<16xi32>], vector<16xf32>,
        %parallel_loop3A_265 = arith.constant 7 : i32
        %parallel_loop3A_266 = vector.broadcast %parallel_loop3A_265 : i32 to vector<16xi32>
        %parallel_loop3A_267 = arith.addi %parallel_loop3A_155, %parallel_loop3A_266 : vector<16xi32>
        %parallel_loop3A_268 = tpu.vector_load_idx %arg9[%parallel_loop3A_267] : memref<32768xf32, #tpu.memory_space<vmem>>[vector<16xi32>], vector<16xf32>,
        %parallel_loop3A_269 = arith.mulf %parallel_loop3A_115, %parallel_loop3A_264 : vector<16xf32>
        %parallel_loop3A_270 = arith.mulf %parallel_loop3A_117, %parallel_loop3A_268 : vector<16xf32>
        %parallel_loop3A_271 = arith.addf %parallel_loop3A_269, %parallel_loop3A_270 : vector<16xf32>
        %parallel_loop3A_272 = arith.constant 7 : i32
        %parallel_loop3A_273 = vector.broadcast %parallel_loop3A_272 : i32 to vector<16xi32>
        %parallel_loop3A_274 = arith.addi %parallel_loop3A_162, %parallel_loop3A_273 : vector<16xi32>
        tpu.vector_store_idx %arg7[%parallel_loop3A_274], %parallel_loop3A_271 : memref<32768xf32, #tpu.memory_space<vmem>>[vector<16xi32>], vector<16xf32>,
      } {sc.loop_unroll_factor = 1 : i64, sc.parallel_access}
      %lt3A = arith.constant 7 : i32
      %lt3A_47 = arith.cmpi slt, %scan3A_31, %lt3A : i32
      %convert_element_type3A_48 = arith.extui %lt3A_47 : i1 to i32
      %cond3A_49 = arith.constant 0 : i32
      %cond3A_50 = arith.cmpi ne, %convert_element_type3A_48, %cond3A_49 : i32
      scf.if %cond3A_50 {
        %add3A_83 = arith.constant 16 : i32
        %add3A_84 = arith.addi %add3A_38, %add3A_83 : i32
        %mul3A_85 = arith.constant 1024 : i32
        %mul3A_86 = arith.muli %add3A_84, %mul3A_85 : i32
        %dma_start3A_87 = tpu.memref_slice %arg2[%mul3A_86] : memref<4194304xf32, #tpu.memory_space<hbm>> -> memref<8192xf32, #tpu.memory_space<hbm>>
        %dma_start3A_88 = tpu.memref_slice %arg2[%mul3A_86] : memref<4194304xf32, #tpu.memory_space<hbm>> -> memref<8192xf32, #tpu.memory_space<hbm>>
        tpu.enqueue_dma source(%dma_start3A_88 : memref<8192xf32, #tpu.memory_space<hbm>>) target(%arg5 : memref<8192xf32, #tpu.memory_space<vmem>>) target_semaphore(%arg11 : memref<!tpu.dma_semaphore, #tpu.memory_space<semaphore_mem>>)
      } else {
      }
      %mul3A_51 = arith.constant 4096 : i32
      %mul3A_52 = arith.muli %add3A_38, %mul3A_51 : i32
      %dma_start3A_53 = tpu.memref_slice %arg4[%mul3A_52] : memref<16777216xf32, #tpu.memory_space<hbm>> -> memref<32768xf32, #tpu.memory_space<hbm>>
      %dma_start3A_54 = tpu.memref_slice %arg4[%mul3A_52] : memref<16777216xf32, #tpu.memory_space<hbm>> -> memref<32768xf32, #tpu.memory_space<hbm>>
      tpu.enqueue_dma source(%arg7 : memref<32768xf32, #tpu.memory_space<vmem>>) target(%dma_start3A_54 : memref<32768xf32, #tpu.memory_space<hbm>>) target_semaphore(%arg13 : memref<!tpu.dma_semaphore, #tpu.memory_space<semaphore_mem>>)
      %mul3A_55 = arith.constant 2 : i32
      %mul3A_56 = arith.muli %mul3A_55, %scan3A_31 : i32
      %add3A_57 = arith.constant 1 : i32
      %add3A_58 = arith.addi %mul3A_56, %add3A_57 : i32
      %mul3A_59 = arith.constant 8 : i32
      %mul3A_60 = arith.muli %add3A_58, %mul3A_59 : i32
      %add3A_61 = arith.addi %mul3A_2, %mul3A_60 : i32
      %mul3A_62 = arith.constant 1024 : i32
      %mul3A_63 = arith.muli %add3A_61, %mul3A_62 : i32
      %dma_wait3A_64 = tpu.memref_slice %arg2[%mul3A_63] : memref<4194304xf32, #tpu.memory_space<hbm>> -> memref<8192xf32, #tpu.memory_space<hbm>>
      %dma_wait3A_65 = tpu.memref_slice %arg2[%mul3A_63] : memref<4194304xf32, #tpu.memory_space<hbm>> -> memref<8192xf32, #tpu.memory_space<hbm>>
      tpu.wait_dma2 semaphore(%arg12 : memref<!tpu.dma_semaphore, #tpu.memory_space<semaphore_mem>>) src(%dma_wait3A_65 : memref<8192xf32, #tpu.memory_space<hbm>>) dst(%arg6 : memref<8192xf32, #tpu.memory_space<vmem>>)
      %gt3A_66 = arith.constant 0 : i32
      %gt3A_67 = arith.cmpi sgt, %scan3A_31, %gt3A_66 : i32
      %convert_element_type3A_68 = arith.extui %gt3A_67 : i1 to i32
      %cond3A_69 = arith.constant 0 : i32
      %cond3A_70 = arith.cmpi ne, %convert_element_type3A_68, %cond3A_69 : i32
      scf.if %cond3A_70 {
        %sub3A_83 = arith.constant 16 : i32
        %sub3A_84 = arith.subi %add3A_61, %sub3A_83 : i32
        %mul3A_85 = arith.constant 4096 : i32
        %mul3A_86 = arith.muli %sub3A_84, %mul3A_85 : i32
        %dma_wait3A_87 = tpu.memref_slice %arg4[%mul3A_86] : memref<16777216xf32, #tpu.memory_space<hbm>> -> memref<32768xf32, #tpu.memory_space<hbm>>
        %dma_wait3A_88 = tpu.memref_slice %arg4[%mul3A_86] : memref<16777216xf32, #tpu.memory_space<hbm>> -> memref<32768xf32, #tpu.memory_space<hbm>>
        tpu.wait_dma2 semaphore(%arg14 : memref<!tpu.dma_semaphore, #tpu.memory_space<semaphore_mem>>) src(%arg8 : memref<32768xf32, #tpu.memory_space<vmem>>) dst(%dma_wait3A_88 : memref<32768xf32, #tpu.memory_space<hbm>>)
      } else {
      }
      %parallel_loop3A_71 = arith.constant 0 : i32
      %parallel_loop3A_72 = arith.constant 256 : i32
      %parallel_loop3A_73 = arith.constant 1 : i32
      scf.for %parallel_loop3A_83 = %parallel_loop3A_71 to %parallel_loop3A_72 step %parallel_loop3A_73  : i32 {
        %parallel_loop3A_84 = arith.constant 5 : i32
        %parallel_loop3A_85 = arith.shrsi %parallel_loop3A_83, %parallel_loop3A_84 : i32
        %parallel_loop3A_86 = arith.constant 31 : i32
        %parallel_loop3A_87 = arith.andi %parallel_loop3A_83, %parallel_loop3A_86 : i32
        %parallel_loop3A_88 = tpu.iota {dimensions = array<i32: 0>} : vector<16xi32>
        %parallel_loop3A_89 = arith.constant 16 : i32
        %parallel_loop3A_90 = arith.muli %parallel_loop3A_87, %parallel_loop3A_89 : i32
        %parallel_loop3A_91 = vector.broadcast %parallel_loop3A_90 : i32 to vector<16xi32>
        %parallel_loop3A_92 = arith.addi %parallel_loop3A_91, %parallel_loop3A_88 : vector<16xi32>
        %parallel_loop3A_93 = arith.constant 1024 : i32
        %parallel_loop3A_94 = arith.muli %parallel_loop3A_85, %parallel_loop3A_93 : i32
        %parallel_loop3A_95 = arith.constant 2 : i32
        %parallel_loop3A_96 = vector.broadcast %parallel_loop3A_95 : i32 to vector<16xi32>
        %parallel_loop3A_97 = arith.muli %parallel_loop3A_96, %parallel_loop3A_92 : vector<16xi32>
        %parallel_loop3A_98 = vector.broadcast %parallel_loop3A_94 : i32 to vector<16xi32>
        %parallel_loop3A_99 = arith.addi %parallel_loop3A_98, %parallel_loop3A_97 : vector<16xi32>
        %parallel_loop3A_100 = tpu.vector_load_idx %arg6[%parallel_loop3A_99] : memref<8192xf32, #tpu.memory_space<vmem>>[vector<16xi32>], vector<16xf32>,
        %parallel_loop3A_101 = arith.constant 1024 : i32
        %parallel_loop3A_102 = arith.muli %parallel_loop3A_85, %parallel_loop3A_101 : i32
        %parallel_loop3A_103 = arith.constant 2 : i32
        %parallel_loop3A_104 = vector.broadcast %parallel_loop3A_103 : i32 to vector<16xi32>
        %parallel_loop3A_105 = arith.muli %parallel_loop3A_104, %parallel_loop3A_92 : vector<16xi32>
        %parallel_loop3A_106 = vector.broadcast %parallel_loop3A_102 : i32 to vector<16xi32>
        %parallel_loop3A_107 = arith.addi %parallel_loop3A_106, %parallel_loop3A_105 : vector<16xi32>
        %parallel_loop3A_108 = arith.constant 1 : i32
        %parallel_loop3A_109 = vector.broadcast %parallel_loop3A_108 : i32 to vector<16xi32>
        %parallel_loop3A_110 = arith.addi %parallel_loop3A_107, %parallel_loop3A_109 : vector<16xi32>
        %parallel_loop3A_111 = tpu.vector_load_idx %arg6[%parallel_loop3A_110] : memref<8192xf32, #tpu.memory_space<vmem>>[vector<16xi32>], vector<16xf32>,
        %parallel_loop3A_112 = math.absf %parallel_loop3A_100 : vector<16xf32>
        %parallel_loop3A_113 = math.absf %parallel_loop3A_111 : vector<16xf32>
        %parallel_loop3A_114 = arith.cmpf olt, %parallel_loop3A_113, %parallel_loop3A_112 : vector<16xf32>
        %parallel_loop3A_115 = arith.minimumf %parallel_loop3A_112, %parallel_loop3A_113 : vector<16xf32>
        %parallel_loop3A_116 = arith.maximumf %parallel_loop3A_112, %parallel_loop3A_113 : vector<16xf32>
        %parallel_loop3A_117 = arith.subf %parallel_loop3A_116, %parallel_loop3A_115 : vector<16xf32>
        %parallel_loop3A_118 = arith.select %parallel_loop3A_114, %parallel_loop3A_111, %parallel_loop3A_100 : vector<16xi1>, vector<16xf32>
        %parallel_loop3A_119 = arith.select %parallel_loop3A_114, %parallel_loop3A_100, %parallel_loop3A_111 : vector<16xi1>, vector<16xf32>
        %parallel_loop3A_120 = arith.constant 0.000000e+00 : f32
        %parallel_loop3A_121 = vector.broadcast %parallel_loop3A_120 : f32 to vector<16xf32>
        %parallel_loop3A_122 = arith.cmpf oge, %parallel_loop3A_118, %parallel_loop3A_121 : vector<16xf32>
        %parallel_loop3A_123 = arith.extui %parallel_loop3A_122 : vector<16xi1> to vector<16xi32>
        %parallel_loop3A_124 = arith.constant 0.000000e+00 : f32
        %parallel_loop3A_125 = vector.broadcast %parallel_loop3A_124 : f32 to vector<16xf32>
        %parallel_loop3A_126 = arith.cmpf oge, %parallel_loop3A_119, %parallel_loop3A_125 : vector<16xf32>
        %parallel_loop3A_127 = arith.extui %parallel_loop3A_126 : vector<16xi1> to vector<16xi32>
        %parallel_loop3A_128 = arith.extui %parallel_loop3A_114 : vector<16xi1> to vector<16xi32>
        %parallel_loop3A_129 = arith.constant 0.000000e+00 : f32
        %parallel_loop3A_130 = vector.broadcast %parallel_loop3A_129 : f32 to vector<16xf32>
        %parallel_loop3A_131 = arith.cmpf oge, %parallel_loop3A_119, %parallel_loop3A_130 : vector<16xf32>
        %parallel_loop3A_132 = arith.constant 3 : i32
        %parallel_loop3A_133 = vector.broadcast %parallel_loop3A_132 : i32 to vector<16xi32>
        %parallel_loop3A_134 = arith.subi %parallel_loop3A_133, %parallel_loop3A_128 : vector<16xi32>
        %parallel_loop3A_135 = arith.select %parallel_loop3A_131, %parallel_loop3A_134, %parallel_loop3A_128 : vector<16xi1>, vector<16xi32>
        %parallel_loop3A_136 = arith.addi %parallel_loop3A_123, %parallel_loop3A_127 : vector<16xi32>
        %parallel_loop3A_137 = arith.select %parallel_loop3A_114, %parallel_loop3A_123, %parallel_loop3A_127 : vector<16xi1>, vector<16xi32>
        %parallel_loop3A_138 = arith.addi %parallel_loop3A_136, %parallel_loop3A_137 : vector<16xi32>
        %parallel_loop3A_139 = arith.constant 64 : i32
        %parallel_loop3A_140 = vector.broadcast %parallel_loop3A_139 : i32 to vector<16xi32>
        %parallel_loop3A_141 = arith.muli %parallel_loop3A_92, %parallel_loop3A_140 : vector<16xi32>
        %parallel_loop3A_142 = arith.constant 8 : i32
        %parallel_loop3A_143 = vector.broadcast %parallel_loop3A_142 : i32 to vector<16xi32>
        %parallel_loop3A_144 = arith.muli %parallel_loop3A_138, %parallel_loop3A_143 : vector<16xi32>
        %parallel_loop3A_145 = arith.addi %parallel_loop3A_141, %parallel_loop3A_144 : vector<16xi32>
        %parallel_loop3A_146 = arith.constant 64 : i32
        %parallel_loop3A_147 = vector.broadcast %parallel_loop3A_146 : i32 to vector<16xi32>
        %parallel_loop3A_148 = arith.muli %parallel_loop3A_92, %parallel_loop3A_147 : vector<16xi32>
        %parallel_loop3A_149 = arith.constant 32 : i32
        %parallel_loop3A_150 = vector.broadcast %parallel_loop3A_149 : i32 to vector<16xi32>
        %parallel_loop3A_151 = arith.addi %parallel_loop3A_148, %parallel_loop3A_150 : vector<16xi32>
        %parallel_loop3A_152 = arith.constant 8 : i32
        %parallel_loop3A_153 = vector.broadcast %parallel_loop3A_152 : i32 to vector<16xi32>
        %parallel_loop3A_154 = arith.muli %parallel_loop3A_135, %parallel_loop3A_153 : vector<16xi32>
        %parallel_loop3A_155 = arith.addi %parallel_loop3A_151, %parallel_loop3A_154 : vector<16xi32>
        %parallel_loop3A_156 = arith.constant 4096 : i32
        %parallel_loop3A_157 = arith.muli %parallel_loop3A_85, %parallel_loop3A_156 : i32
        %parallel_loop3A_158 = arith.constant 8 : i32
        %parallel_loop3A_159 = vector.broadcast %parallel_loop3A_158 : i32 to vector<16xi32>
        %parallel_loop3A_160 = arith.muli %parallel_loop3A_159, %parallel_loop3A_92 : vector<16xi32>
        %parallel_loop3A_161 = vector.broadcast %parallel_loop3A_157 : i32 to vector<16xi32>
        %parallel_loop3A_162 = arith.addi %parallel_loop3A_161, %parallel_loop3A_160 : vector<16xi32>
        %parallel_loop3A_163 = arith.constant 0 : i32
        %parallel_loop3A_164 = vector.broadcast %parallel_loop3A_163 : i32 to vector<16xi32>
        %parallel_loop3A_165 = arith.addi %parallel_loop3A_145, %parallel_loop3A_164 : vector<16xi32>
        %parallel_loop3A_166 = tpu.vector_load_idx %arg9[%parallel_loop3A_165] : memref<32768xf32, #tpu.memory_space<vmem>>[vector<16xi32>], vector<16xf32>,
        %parallel_loop3A_167 = arith.constant 0 : i32
        %parallel_loop3A_168 = vector.broadcast %parallel_loop3A_167 : i32 to vector<16xi32>
        %parallel_loop3A_169 = arith.addi %parallel_loop3A_155, %parallel_loop3A_168 : vector<16xi32>
        %parallel_loop3A_170 = tpu.vector_load_idx %arg9[%parallel_loop3A_169] : memref<32768xf32, #tpu.memory_space<vmem>>[vector<16xi32>], vector<16xf32>,
        %parallel_loop3A_171 = arith.mulf %parallel_loop3A_115, %parallel_loop3A_166 : vector<16xf32>
        %parallel_loop3A_172 = arith.mulf %parallel_loop3A_117, %parallel_loop3A_170 : vector<16xf32>
        %parallel_loop3A_173 = arith.addf %parallel_loop3A_171, %parallel_loop3A_172 : vector<16xf32>
        %parallel_loop3A_174 = arith.constant 0 : i32
        %parallel_loop3A_175 = vector.broadcast %parallel_loop3A_174 : i32 to vector<16xi32>
        %parallel_loop3A_176 = arith.addi %parallel_loop3A_162, %parallel_loop3A_175 : vector<16xi32>
        tpu.vector_store_idx %arg8[%parallel_loop3A_176], %parallel_loop3A_173 : memref<32768xf32, #tpu.memory_space<vmem>>[vector<16xi32>], vector<16xf32>,
        %parallel_loop3A_177 = arith.constant 1 : i32
        %parallel_loop3A_178 = vector.broadcast %parallel_loop3A_177 : i32 to vector<16xi32>
        %parallel_loop3A_179 = arith.addi %parallel_loop3A_145, %parallel_loop3A_178 : vector<16xi32>
        %parallel_loop3A_180 = tpu.vector_load_idx %arg9[%parallel_loop3A_179] : memref<32768xf32, #tpu.memory_space<vmem>>[vector<16xi32>], vector<16xf32>,
        %parallel_loop3A_181 = arith.constant 1 : i32
        %parallel_loop3A_182 = vector.broadcast %parallel_loop3A_181 : i32 to vector<16xi32>
        %parallel_loop3A_183 = arith.addi %parallel_loop3A_155, %parallel_loop3A_182 : vector<16xi32>
        %parallel_loop3A_184 = tpu.vector_load_idx %arg9[%parallel_loop3A_183] : memref<32768xf32, #tpu.memory_space<vmem>>[vector<16xi32>], vector<16xf32>,
        %parallel_loop3A_185 = arith.mulf %parallel_loop3A_115, %parallel_loop3A_180 : vector<16xf32>
        %parallel_loop3A_186 = arith.mulf %parallel_loop3A_117, %parallel_loop3A_184 : vector<16xf32>
        %parallel_loop3A_187 = arith.addf %parallel_loop3A_185, %parallel_loop3A_186 : vector<16xf32>
        %parallel_loop3A_188 = arith.constant 1 : i32
        %parallel_loop3A_189 = vector.broadcast %parallel_loop3A_188 : i32 to vector<16xi32>
        %parallel_loop3A_190 = arith.addi %parallel_loop3A_162, %parallel_loop3A_189 : vector<16xi32>
        tpu.vector_store_idx %arg8[%parallel_loop3A_190], %parallel_loop3A_187 : memref<32768xf32, #tpu.memory_space<vmem>>[vector<16xi32>], vector<16xf32>,
        %parallel_loop3A_191 = arith.constant 2 : i32
        %parallel_loop3A_192 = vector.broadcast %parallel_loop3A_191 : i32 to vector<16xi32>
        %parallel_loop3A_193 = arith.addi %parallel_loop3A_145, %parallel_loop3A_192 : vector<16xi32>
        %parallel_loop3A_194 = tpu.vector_load_idx %arg9[%parallel_loop3A_193] : memref<32768xf32, #tpu.memory_space<vmem>>[vector<16xi32>], vector<16xf32>,
        %parallel_loop3A_195 = arith.constant 2 : i32
        %parallel_loop3A_196 = vector.broadcast %parallel_loop3A_195 : i32 to vector<16xi32>
        %parallel_loop3A_197 = arith.addi %parallel_loop3A_155, %parallel_loop3A_196 : vector<16xi32>
        %parallel_loop3A_198 = tpu.vector_load_idx %arg9[%parallel_loop3A_197] : memref<32768xf32, #tpu.memory_space<vmem>>[vector<16xi32>], vector<16xf32>,
        %parallel_loop3A_199 = arith.mulf %parallel_loop3A_115, %parallel_loop3A_194 : vector<16xf32>
        %parallel_loop3A_200 = arith.mulf %parallel_loop3A_117, %parallel_loop3A_198 : vector<16xf32>
        %parallel_loop3A_201 = arith.addf %parallel_loop3A_199, %parallel_loop3A_200 : vector<16xf32>
        %parallel_loop3A_202 = arith.constant 2 : i32
        %parallel_loop3A_203 = vector.broadcast %parallel_loop3A_202 : i32 to vector<16xi32>
        %parallel_loop3A_204 = arith.addi %parallel_loop3A_162, %parallel_loop3A_203 : vector<16xi32>
        tpu.vector_store_idx %arg8[%parallel_loop3A_204], %parallel_loop3A_201 : memref<32768xf32, #tpu.memory_space<vmem>>[vector<16xi32>], vector<16xf32>,
        %parallel_loop3A_205 = arith.constant 3 : i32
        %parallel_loop3A_206 = vector.broadcast %parallel_loop3A_205 : i32 to vector<16xi32>
        %parallel_loop3A_207 = arith.addi %parallel_loop3A_145, %parallel_loop3A_206 : vector<16xi32>
        %parallel_loop3A_208 = tpu.vector_load_idx %arg9[%parallel_loop3A_207] : memref<32768xf32, #tpu.memory_space<vmem>>[vector<16xi32>], vector<16xf32>,
        %parallel_loop3A_209 = arith.constant 3 : i32
        %parallel_loop3A_210 = vector.broadcast %parallel_loop3A_209 : i32 to vector<16xi32>
        %parallel_loop3A_211 = arith.addi %parallel_loop3A_155, %parallel_loop3A_210 : vector<16xi32>
        %parallel_loop3A_212 = tpu.vector_load_idx %arg9[%parallel_loop3A_211] : memref<32768xf32, #tpu.memory_space<vmem>>[vector<16xi32>], vector<16xf32>,
        %parallel_loop3A_213 = arith.mulf %parallel_loop3A_115, %parallel_loop3A_208 : vector<16xf32>
        %parallel_loop3A_214 = arith.mulf %parallel_loop3A_117, %parallel_loop3A_212 : vector<16xf32>
        %parallel_loop3A_215 = arith.addf %parallel_loop3A_213, %parallel_loop3A_214 : vector<16xf32>
        %parallel_loop3A_216 = arith.constant 3 : i32
        %parallel_loop3A_217 = vector.broadcast %parallel_loop3A_216 : i32 to vector<16xi32>
        %parallel_loop3A_218 = arith.addi %parallel_loop3A_162, %parallel_loop3A_217 : vector<16xi32>
        tpu.vector_store_idx %arg8[%parallel_loop3A_218], %parallel_loop3A_215 : memref<32768xf32, #tpu.memory_space<vmem>>[vector<16xi32>], vector<16xf32>,
        %parallel_loop3A_219 = arith.constant 4 : i32
        %parallel_loop3A_220 = vector.broadcast %parallel_loop3A_219 : i32 to vector<16xi32>
        %parallel_loop3A_221 = arith.addi %parallel_loop3A_145, %parallel_loop3A_220 : vector<16xi32>
        %parallel_loop3A_222 = tpu.vector_load_idx %arg9[%parallel_loop3A_221] : memref<32768xf32, #tpu.memory_space<vmem>>[vector<16xi32>], vector<16xf32>,
        %parallel_loop3A_223 = arith.constant 4 : i32
        %parallel_loop3A_224 = vector.broadcast %parallel_loop3A_223 : i32 to vector<16xi32>
        %parallel_loop3A_225 = arith.addi %parallel_loop3A_155, %parallel_loop3A_224 : vector<16xi32>
        %parallel_loop3A_226 = tpu.vector_load_idx %arg9[%parallel_loop3A_225] : memref<32768xf32, #tpu.memory_space<vmem>>[vector<16xi32>], vector<16xf32>,
        %parallel_loop3A_227 = arith.mulf %parallel_loop3A_115, %parallel_loop3A_222 : vector<16xf32>
        %parallel_loop3A_228 = arith.mulf %parallel_loop3A_117, %parallel_loop3A_226 : vector<16xf32>
        %parallel_loop3A_229 = arith.addf %parallel_loop3A_227, %parallel_loop3A_228 : vector<16xf32>
        %parallel_loop3A_230 = arith.constant 4 : i32
        %parallel_loop3A_231 = vector.broadcast %parallel_loop3A_230 : i32 to vector<16xi32>
        %parallel_loop3A_232 = arith.addi %parallel_loop3A_162, %parallel_loop3A_231 : vector<16xi32>
        tpu.vector_store_idx %arg8[%parallel_loop3A_232], %parallel_loop3A_229 : memref<32768xf32, #tpu.memory_space<vmem>>[vector<16xi32>], vector<16xf32>,
        %parallel_loop3A_233 = arith.constant 5 : i32
        %parallel_loop3A_234 = vector.broadcast %parallel_loop3A_233 : i32 to vector<16xi32>
        %parallel_loop3A_235 = arith.addi %parallel_loop3A_145, %parallel_loop3A_234 : vector<16xi32>
        %parallel_loop3A_236 = tpu.vector_load_idx %arg9[%parallel_loop3A_235] : memref<32768xf32, #tpu.memory_space<vmem>>[vector<16xi32>], vector<16xf32>,
        %parallel_loop3A_237 = arith.constant 5 : i32
        %parallel_loop3A_238 = vector.broadcast %parallel_loop3A_237 : i32 to vector<16xi32>
        %parallel_loop3A_239 = arith.addi %parallel_loop3A_155, %parallel_loop3A_238 : vector<16xi32>
        %parallel_loop3A_240 = tpu.vector_load_idx %arg9[%parallel_loop3A_239] : memref<32768xf32, #tpu.memory_space<vmem>>[vector<16xi32>], vector<16xf32>,
        %parallel_loop3A_241 = arith.mulf %parallel_loop3A_115, %parallel_loop3A_236 : vector<16xf32>
        %parallel_loop3A_242 = arith.mulf %parallel_loop3A_117, %parallel_loop3A_240 : vector<16xf32>
        %parallel_loop3A_243 = arith.addf %parallel_loop3A_241, %parallel_loop3A_242 : vector<16xf32>
        %parallel_loop3A_244 = arith.constant 5 : i32
        %parallel_loop3A_245 = vector.broadcast %parallel_loop3A_244 : i32 to vector<16xi32>
        %parallel_loop3A_246 = arith.addi %parallel_loop3A_162, %parallel_loop3A_245 : vector<16xi32>
        tpu.vector_store_idx %arg8[%parallel_loop3A_246], %parallel_loop3A_243 : memref<32768xf32, #tpu.memory_space<vmem>>[vector<16xi32>], vector<16xf32>,
        %parallel_loop3A_247 = arith.constant 6 : i32
        %parallel_loop3A_248 = vector.broadcast %parallel_loop3A_247 : i32 to vector<16xi32>
        %parallel_loop3A_249 = arith.addi %parallel_loop3A_145, %parallel_loop3A_248 : vector<16xi32>
        %parallel_loop3A_250 = tpu.vector_load_idx %arg9[%parallel_loop3A_249] : memref<32768xf32, #tpu.memory_space<vmem>>[vector<16xi32>], vector<16xf32>,
        %parallel_loop3A_251 = arith.constant 6 : i32
        %parallel_loop3A_252 = vector.broadcast %parallel_loop3A_251 : i32 to vector<16xi32>
        %parallel_loop3A_253 = arith.addi %parallel_loop3A_155, %parallel_loop3A_252 : vector<16xi32>
        %parallel_loop3A_254 = tpu.vector_load_idx %arg9[%parallel_loop3A_253] : memref<32768xf32, #tpu.memory_space<vmem>>[vector<16xi32>], vector<16xf32>,
        %parallel_loop3A_255 = arith.mulf %parallel_loop3A_115, %parallel_loop3A_250 : vector<16xf32>
        %parallel_loop3A_256 = arith.mulf %parallel_loop3A_117, %parallel_loop3A_254 : vector<16xf32>
        %parallel_loop3A_257 = arith.addf %parallel_loop3A_255, %parallel_loop3A_256 : vector<16xf32>
        %parallel_loop3A_258 = arith.constant 6 : i32
        %parallel_loop3A_259 = vector.broadcast %parallel_loop3A_258 : i32 to vector<16xi32>
        %parallel_loop3A_260 = arith.addi %parallel_loop3A_162, %parallel_loop3A_259 : vector<16xi32>
        tpu.vector_store_idx %arg8[%parallel_loop3A_260], %parallel_loop3A_257 : memref<32768xf32, #tpu.memory_space<vmem>>[vector<16xi32>], vector<16xf32>,
        %parallel_loop3A_261 = arith.constant 7 : i32
        %parallel_loop3A_262 = vector.broadcast %parallel_loop3A_261 : i32 to vector<16xi32>
        %parallel_loop3A_263 = arith.addi %parallel_loop3A_145, %parallel_loop3A_262 : vector<16xi32>
        %parallel_loop3A_264 = tpu.vector_load_idx %arg9[%parallel_loop3A_263] : memref<32768xf32, #tpu.memory_space<vmem>>[vector<16xi32>], vector<16xf32>,
        %parallel_loop3A_265 = arith.constant 7 : i32
        %parallel_loop3A_266 = vector.broadcast %parallel_loop3A_265 : i32 to vector<16xi32>
        %parallel_loop3A_267 = arith.addi %parallel_loop3A_155, %parallel_loop3A_266 : vector<16xi32>
        %parallel_loop3A_268 = tpu.vector_load_idx %arg9[%parallel_loop3A_267] : memref<32768xf32, #tpu.memory_space<vmem>>[vector<16xi32>], vector<16xf32>,
        %parallel_loop3A_269 = arith.mulf %parallel_loop3A_115, %parallel_loop3A_264 : vector<16xf32>
        %parallel_loop3A_270 = arith.mulf %parallel_loop3A_117, %parallel_loop3A_268 : vector<16xf32>
        %parallel_loop3A_271 = arith.addf %parallel_loop3A_269, %parallel_loop3A_270 : vector<16xf32>
        %parallel_loop3A_272 = arith.constant 7 : i32
        %parallel_loop3A_273 = vector.broadcast %parallel_loop3A_272 : i32 to vector<16xi32>
        %parallel_loop3A_274 = arith.addi %parallel_loop3A_162, %parallel_loop3A_273 : vector<16xi32>
        tpu.vector_store_idx %arg8[%parallel_loop3A_274], %parallel_loop3A_271 : memref<32768xf32, #tpu.memory_space<vmem>>[vector<16xi32>], vector<16xf32>,
      } {sc.loop_unroll_factor = 1 : i64, sc.parallel_access}
      %lt3A_74 = arith.constant 7 : i32
      %lt3A_75 = arith.cmpi slt, %scan3A_31, %lt3A_74 : i32
      %convert_element_type3A_76 = arith.extui %lt3A_75 : i1 to i32
      %cond3A_77 = arith.constant 0 : i32
      %cond3A_78 = arith.cmpi ne, %convert_element_type3A_76, %cond3A_77 : i32
      scf.if %cond3A_78 {
        %add3A_83 = arith.constant 16 : i32
        %add3A_84 = arith.addi %add3A_61, %add3A_83 : i32
        %mul3A_85 = arith.constant 1024 : i32
        %mul3A_86 = arith.muli %add3A_84, %mul3A_85 : i32
        %dma_start3A_87 = tpu.memref_slice %arg2[%mul3A_86] : memref<4194304xf32, #tpu.memory_space<hbm>> -> memref<8192xf32, #tpu.memory_space<hbm>>
        %dma_start3A_88 = tpu.memref_slice %arg2[%mul3A_86] : memref<4194304xf32, #tpu.memory_space<hbm>> -> memref<8192xf32, #tpu.memory_space<hbm>>
        tpu.enqueue_dma source(%dma_start3A_88 : memref<8192xf32, #tpu.memory_space<hbm>>) target(%arg6 : memref<8192xf32, #tpu.memory_space<vmem>>) target_semaphore(%arg12 : memref<!tpu.dma_semaphore, #tpu.memory_space<semaphore_mem>>)
      } else {
      }
      %mul3A_79 = arith.constant 4096 : i32
      %mul3A_80 = arith.muli %add3A_61, %mul3A_79 : i32
      %dma_start3A_81 = tpu.memref_slice %arg4[%mul3A_80] : memref<16777216xf32, #tpu.memory_space<hbm>> -> memref<32768xf32, #tpu.memory_space<hbm>>
      %dma_start3A_82 = tpu.memref_slice %arg4[%mul3A_80] : memref<16777216xf32, #tpu.memory_space<hbm>> -> memref<32768xf32, #tpu.memory_space<hbm>>
      tpu.enqueue_dma source(%arg8 : memref<32768xf32, #tpu.memory_space<vmem>>) target(%dma_start3A_82 : memref<32768xf32, #tpu.memory_space<hbm>>) target_semaphore(%arg14 : memref<!tpu.dma_semaphore, #tpu.memory_space<semaphore_mem>>)
    }
    %scan3A_16 = arith.constant 8 : i32
    %add3A_17 = arith.constant 128 : i32
    %add3A_18 = arith.addi %mul3A_2, %add3A_17 : i32
    %sub3A = arith.constant 16 : i32
    %sub3A_19 = arith.subi %add3A_18, %sub3A : i32
    %mul3A_20 = arith.constant 4096 : i32
    %mul3A_21 = arith.muli %sub3A_19, %mul3A_20 : i32
    %dma_wait3A = tpu.memref_slice %arg4[%mul3A_21] : memref<16777216xf32, #tpu.memory_space<hbm>> -> memref<32768xf32, #tpu.memory_space<hbm>>
    %dma_wait3A_22 = tpu.memref_slice %arg4[%mul3A_21] : memref<16777216xf32, #tpu.memory_space<hbm>> -> memref<32768xf32, #tpu.memory_space<hbm>>
    tpu.wait_dma2 semaphore(%arg13 : memref<!tpu.dma_semaphore, #tpu.memory_space<semaphore_mem>>) src(%arg7 : memref<32768xf32, #tpu.memory_space<vmem>>) dst(%dma_wait3A_22 : memref<32768xf32, #tpu.memory_space<hbm>>)
    %add3A_23 = arith.constant 128 : i32
    %add3A_24 = arith.addi %mul3A_2, %add3A_23 : i32
    %sub3A_25 = arith.constant 8 : i32
    %sub3A_26 = arith.subi %add3A_24, %sub3A_25 : i32
    %mul3A_27 = arith.constant 4096 : i32
    %mul3A_28 = arith.muli %sub3A_26, %mul3A_27 : i32
    %dma_wait3A_29 = tpu.memref_slice %arg4[%mul3A_28] : memref<16777216xf32, #tpu.memory_space<hbm>> -> memref<32768xf32, #tpu.memory_space<hbm>>
    %dma_wait3A_30 = tpu.memref_slice %arg4[%mul3A_28] : memref<16777216xf32, #tpu.memory_space<hbm>> -> memref<32768xf32, #tpu.memory_space<hbm>>
    tpu.wait_dma2 semaphore(%arg14 : memref<!tpu.dma_semaphore, #tpu.memory_space<semaphore_mem>>) src(%arg8 : memref<32768xf32, #tpu.memory_space<vmem>>) dst(%dma_wait3A_30 : memref<32768xf32, #tpu.memory_space<hbm>>)
    return
  }
}

</mosaic_0001>

<sc_bundles>
// kernel: _run.3.cloned.1.call-start
scs
__scs_entry_jumppad:
0x0: {  	(pc) =	sbr.rel $0x88, $3  }
0x1: {  	(tag) =	ssettag $0x0;
	lr =	simm.s32 $0x1  }
0x2: {  	[smem:$0x3F9F] =	sst lr;
	_ =	strace $0xD0000000  }
0x3: {  	_ = 	snop  }
0x4: {  	_ = 	snop  }
0x5: {  	_ = 	snop  }
0x6: {  	_ = 	snop  }
0x7: {  	_ = 	snop  }
__scs_overlays_trampoline_lowered:
0x8: {  	[smem:$0x3FAE] =	sst s0  }
0x9: {  	[smem:$0x3FAF] =	sst s1  }
0xa: {  	[smem:$0x3FB0] =	sst s2  }
0xb: {  	[smem:$0x3FB1] =	sst s3  }
0xc: {  	[smem:$0x3FB2] =	sst s4  }
0xd: {  	[smem:$0x3FB3] =	sst s5  }
0xe: {  	[smem:$0x3FB4] =	sst s6  }
0xf: {  	[smem:$0x3FB5] =	sst s7  }
0x10: {  	[smem:$0x3FB6] =	sst s8  }
0x11: {  	[smem:$0x3FB7] =	sst s9;
	s0 =	simm.s32 @!p0 $0x0  }
0x12: {  	s1 =	sld [smem:$0x3F9D];
	s0 =	simm.s32 @p0 $0x1  }
0x13: {  	[smem:$0x3FB8] =	sst s0;
	s0 =	simm.s32 @!p1 $0x0  }
0x14: {  	s2 =	sld [smem:$0x3F9C];
	s0 =	simm.s32 @p1 $0x1  }
0x15: {  	[smem:$0x3FB9] =	sst s0;
	s0 =	simm.s32 @!p2 $0x0  }
0x16: {  	s3 =	sld [smem:$0x3FDB];
	s0 =	simm.s32 @p2 $0x1  }
0x17: {  	s4 =	simm.s32 $0x1BF5;
	[smem:$0x3FBB] =	sst s0  }
0x18: {  	s0 =	sld [smem:$0x3F9E];
	_ =	swait.ge [sflag:s4], $0x0  }
0x19: {  	s7 =	sld [smem:$0x3F9F]  }
0x1a: {  	s8 =	sadd.s32 $0xFFFFE003, lr  }
0x1b: {  	s9 =	sadd.s32 $0xFFFFFEF7, lr;
	s5 =	simm.s32 $0xFFFFFFFF;
	p2 =	slt.u32 s8, $0xFFFFF086  }
0x1c: {  	p1 =	slt.u32 s9, $0xF7A;
	s5 =	simm.s32 @!p2 $0x0  }
0x1d: {  	s5 =	simm.s32 @p1 $0x1;
	p0 =	seq.s32 s7, s2  }
0x1e: {  	s7 =	smul.u32 @!p0 $0xF7A, s2;
	p2 =	seq.s32 @!p0 s5, $0x0  }
0x1f: {  	s9 =	smul.u32 $0xF7A, s1;
	s8 =	simm.s32 @!p0 $0x1BF5;
	p2 =	por !p2, p0  }
0x20: {  	[sflag:s8] =	ssyncset.s32 @!p0 $0xFFFFF086;
	s6 =	sadd.s32 @!p0 s3, s7;
	s7 =	simm.s32 @!p0 $0x108  }
0x21: {  	s3 =	sadd.s32 s3, s9;
	s6 =	sadd.s32 @!p0 $0x88, s6;
	s7 =	simm.s32 @p2 $0x1082  }
0x22: {  	[simem:s7], [sflag:s8] =	dma.local @!p0 [hbm:s6], $0xF7A  }
0x23: {  	s9 =	sor.u32 $0xD0000000, s2;
	s6 =	simm.s32 $0x108;
	_ =	swait.ge @!p0 [sflag:s8], $0x0  }
0x24: {  	s3 =	sadd.s32 $0x88, s3;
	s6 =	simm.s32 @!p1 $0x1082;
	[sflag:s4] =	ssyncset.s32 $0xFFFFF086  }
0x25: {  	[simem:s6], [sflag:s4] =	dma.local [hbm:s3], $0xF7A  }
0x26: {  	[smem:$0x3F9F] =	sst s1;
	(tag) =	ssettag s2;
	_ =	strace s9  }
0x27: {  	s1 =	sld [smem:$0x3FAF]  }
0x28: {  	s2 =	sld [smem:$0x3FB0]  }
0x29: {  	s4 =	sld [smem:$0x3FB2]  }
0x2a: {  	p0 =	seq.s32 s5, $0x0;
	s5 =	sld [smem:$0x3FB3]  }
0x2b: {  	s6 =	sld [smem:$0x3FB4]  }
0x2c: {  	s7 =	sld [smem:$0x3FB5]  }
0x2d: {  	s3 =	simm.s32 $0x108;
	s8 =	sld [smem:$0x3FB6]  }
0x2e: {  	s3 =	simm.s32 @!p0 $0x1082;
	s9 =	sld [smem:$0x3FB7]  }
0x2f: {  	lr =	sadd.s32 s0, s3;
	s0 =	sld [smem:$0x3FAE]  }
0x30: {  	s3 =	sld [smem:$0x3FB1]  }
0x31: {  	[smem:$0x3FBA] =	sst s10  }
0x32: {  	s10 =	sld [smem:$0x3FB8];
	_ =	sdelay $0x3  }
0x33: {  	p0 =	seq.s32 s10, $0x1;
	s10 =	sld [smem:$0x3FBA];
	_ =	sdelay $0x3  }
0x34: {  	[smem:$0x3FBA] =	sst s10  }
0x35: {  	s10 =	sld [smem:$0x3FB9];
	_ =	sdelay $0x3  }
0x36: {  	p1 =	seq.s32 s10, $0x1;
	s10 =	sld [smem:$0x3FBA];
	_ =	sdelay $0x3  }
0x37: {  	[smem:$0x3FBA] =	sst s10  }
0x38: {  	s10 =	sld [smem:$0x3FBB]  }
0x39: {  	_ = 	snop;
	(pc) =	sbr.ind lr, $3  }
0x3a: {  	_ = 	snop  }
0x3b: {  	_ = 	snop  }
0x3c: {  	p2 =	seq.s32 s10, $0x1;
	s10 =	sld [smem:$0x3FBA]  }
0x3d: {  	_ =	shalt  }
0x3e: {  	_ =	shalt  }
0x3f: {  	_ =	shalt  }
0x40: {  	_ =	shalt  }
0x41: {  	_ =	shalt  }
0x42: {  	_ =	shalt  }
0x43: {  	_ =	shalt  }
0x44: {  	_ =	shalt  }
0x45: {  	_ =	shalt  }
0x46: {  	_ =	shalt  }
0x47: {  	_ =	shalt  }
0x48: {  	_ =	shalt  }
0x49: {  	_ =	shalt  }
0x4a: {  	_ =	shalt  }
0x4b: {  	_ =	shalt  }
0x4c: {  	_ =	shalt  }
0x4d: {  	_ =	shalt  }
0x4e: {  	_ =	shalt  }
0x4f: {  	_ =	shalt  }
0x50: {  	_ =	shalt  }
0x51: {  	_ =	shalt  }
0x52: {  	_ =	shalt  }
0x53: {  	_ =	shalt  }
0x54: {  	_ =	shalt  }
0x55: {  	_ =	shalt  }
0x56: {  	_ =	shalt  }
0x57: {  	_ =	shalt  }
0x58: {  	_ =	shalt  }
0x59: {  	_ =	shalt  }
0x5a: {  	_ =	shalt  }
0x5b: {  	_ =	shalt  }
0x5c: {  	_ =	shalt  }
0x5d: {  	_ =	shalt  }
0x5e: {  	_ =	shalt  }
0x5f: {  	_ =	shalt  }
0x60: {  	_ =	shalt  }
0x61: {  	_ =	shalt  }
0x62: {  	_ =	shalt  }
0x63: {  	_ =	shalt  }
0x64: {  	_ =	shalt  }
0x65: {  	_ =	shalt  }
0x66: {  	_ =	shalt  }
0x67: {  	_ =	shalt  }
0x68: {  	_ =	shalt  }
0x69: {  	_ =	shalt  }
0x6a: {  	_ =	shalt  }
0x6b: {  	_ =	shalt  }
0x6c: {  	_ =	shalt  }
0x6d: {  	_ =	shalt  }
0x6e: {  	_ =	shalt  }
0x6f: {  	_ =	shalt  }
0x70: {  	_ =	shalt  }
0x71: {  	_ =	shalt  }
0x72: {  	_ =	shalt  }
0x73: {  	_ =	shalt  }
0x74: {  	_ =	shalt  }
0x75: {  	_ =	shalt  }
0x76: {  	_ =	shalt  }
0x77: {  	_ =	shalt  }
0x78: {  	_ =	shalt  }
0x79: {  	_ =	shalt  }
0x7a: {  	_ =	shalt  }
0x7b: {  	_ =	shalt  }
0x7c: {  	_ =	shalt  }
0x7d: {  	_ =	shalt  }
0x7e: {  	_ =	shalt  }
0x7f: {  	_ =	shalt  }
0x80: {  	_ =	shalt  }
0x81: {  	_ =	shalt  }
0x82: {  	_ =	shalt  }
0x83: {  	_ =	shalt  }
0x84: {  	_ =	shalt  }
0x85: {  	_ =	shalt  }
0x86: {  	_ =	shalt  }
0x87: {  	_ =	shalt  }
.Lfunc_end0:
.L_simem_size_0:
called_computation_lowered:
.L_overlay_start_0:
0x88: {  	s2 =	sld [smem:$0x3FD9]  }
0x89: {  	s3 =	sld [smem:$0x3FFE];
	_ =	sdelay $0x1  }
0x8a: {  	s1 =	srdreg.scid  }
0x8b: {  	s0 =	sand.u32 $0x1, s1  }
0x8c: {  	s18 =	sshll.u32 s0, $0xA;
	s2 =	sadd.s32 s3, s2  }
0x8d: {  	s2 =	sadd.s32 s2, s18  }
0x8e: {  	[smem:$0x3FC6] =	sst s2  }
0x8f: {  	_ = 	snop  }
0x90: {  	s2 =	sld [smem:$0x3FC9]  }
0x91: {  	s19 =	sld [smem:$0x3FC8]  }
0x92: {  	s4 =	sld [smem:$0x3FD0];
	(tm) =	ssettm $0x1  }
0x93: {  	s5 =	sld [smem:$0x3FFB];
	_ =	sdelay $0x3  }
0x94: {  	_ =	strace s5  }
0x95: {  	s5 =	sld [smem:$0x3FFC];
	_ =	sdelay $0x3  }
0x96: {  	_ =	strace s5  }
0x97: {  	s5 =	sld [smem:$0x3FFD];
	_ =	sdelay $0x3  }
0x98: {  	_ =	strace s5  }
0x99: {  	_ =	strace $0x8FFFFFFF  }
0x9a: {  	s20 =	sld [smem:$0x3FDB];
	_ =	sdelay $0x1  }
0x9b: {  	s6 =	simm.s32 $_scs_section_size  }
0x9c: {  	s7 =	simm.s32 $_size__tile_overlayer_lowered;
	s8 =	simm.s32 $_tile_overlayer_lowered  }
0x9d: {  	s23 =	simm.s32 $0x1BFF;
	s22 =	sshll.u32 s8, $0x1;
	s5 =	sadd.s32 s6, s20  }
0x9e: {  	s9 =	simm.s32 $0x0;
	s21 =	sshll.u32 s7, $0x1;
	s7 =	sadd.s32 s22, s5  }
0x9f: {  	[timem:s9], [sflag:s23] =	dma.local [hbm:s7], s21  }
0xa0: {  	_ =	swait.ge [sflag:s23], s21  }
0xa1: {  	s6 =	ssub.s32 $0x0, s21;
	[sflag:s23] =	ssyncset.done $0x0  }
0xa2: {  	[sflag:s23] =	ssyncadd.s32 s6;
	_ =	sdelay $0x1  }
0xa3: {  	s24 =	simm.s32 $0x1B8B  }
0xa4: {  	_ =	swait.ge [sflag:s24], $0x1  }
0xa5: {  	[sflag:s24] =	ssyncset.done $0x0  }
0xa6: {  	s25 =	simm.s32 $0x1B8E;
	[sflag:s24] =	ssyncadd.s32 $0xFFFFFFFF  }
0xa7: {  	s26 =	simm.s32 $execute0_lowered;
	[smem:$0x3FD2] =	sst s25  }
0xa8: {  	s6 =	sshll.u32 s26, $0x1;
	_ =	strace $0x80000046;
	[dreg:$0x1] =	wrdreg $0xFFFFFFFF  }
0xa9: {  	s28 =	simm.s32 $_size_execute0_lowered;
	s5 =	sadd.s32 s5, s6;
	[dreg:$0x0] =	wrdreg $0x0  }
0xaa: {  	s6 =	sshll.u32 s28, $0x1;
	[dreg:$0x2] =	wrdreg s5  }
0xab: {  	[dreg:$0x3] =	wrdreg s6  }
0xac: {  	[dreg:$0x4] =	wrdreg $0xC0  }
0xad: {  	_ =	task [dreg:s9], $0x5FFFF  }
0xae: {  	[dreg:$0x1] =	wrdreg $0xFFFFFFFF  }
0xaf: {  	[dreg:$0x0] =	wrdreg $0x60  }
0xb0: {  	[dreg:$0x2] =	wrdreg s2  }
0xb1: {  	[dreg:$0x3] =	wrdreg s19  }
0xb2: {  	[dreg:$0x4] =	wrdreg s4  }
0xb3: {  	[dreg:$0x5] =	wrdreg $0x9  }
0xb4: {  	_ =	task.clear_ibuf [dreg:s9], $0x6FFFF;
	_ =	strace $0x90000046  }
0xb5: {  	s29 =	simm.s32 $0x9;
	_ =	strace $0x80000048  }
0xb6: {  	_ =	swait.ge [sflag:s29], $0x1  }
0xb7: {  	[sflag:s29] =	ssyncadd.s32 $0xFFFFFFFF  }
0xb8: {  	_ =	strace $0x90000048  }
0xb9: {  	_ =	sfence  }
0xba: {  	s30 =	sld [smem:$0x0];
	_ =	sdelay $0x2  }
0xbb: {  	s31 =	sshll.u32 s1, $0xD;
	s1 =	sshrl.u32 s1, $0x2  }
0xbc: {  	s3 =	sand.u32 $0x4000, s31;
	s1 =	sadd.s32 s1, s30  }
0xbd: {  	s0 =	sor.u32 s3, s0;
	s1 =	sshll.u32 s1, $0x11  }
0xbe: {  	s0 =	sor.u32 s1, s0  }
0xbf: {  	s0 =	sadd.s32 $0x8F2B, s0  }
0xc0: {  	[sflag:s0] =	ssyncadd.remote.s32 $0x1  }
0xc1: {  	_ =	sfence.sel $0xFFFF  }
0xc2: {  	[dreg:$0x0] =	wrdreg $0xFFFFFFFF;
	(pc) =	sbr.abs _section_cstart, $3  }
0xc3: {  	[dreg:$0x1] =	wrdreg $0xFFFFFFFF  }
0xc4: {  	_ =	task.clear_ibuf [dreg:s9], $0x2FFFF;
	_ =	strace $0x9FFFFFFF  }
0xc5: {  	(tm) =	ssettm $0x7FFFFFFF  }
tec
execute0_lowered:
.L_overlay_start_1:
0x0: {  	(tag) =	ssettag $0x1  }
0x1: {  	s8 =	rddreg [dreg:$0x0]  }
0x2: {  	s2 =	rddreg [dreg:$0x1]  }
0x3: {  	s1 =	srdreg.scid;
	s0 =	stileid.u32  }
0x4: {  	s3 =	rddreg [dreg:$0x2];
	s4 =	simm.s32 $0x0;
	s10 =	simm.s32 $0x14000  }
0x5: {  	s11 =	simm.s32 $0x2000;
	s12 =	simm.s32 $0x1;
	s13 =	simm.s32 $0x2  }
0x6: {  	s14 =	simm.s32 $0x4000;
	s15 =	simm.s32 $0x3;
	s16 =	simm.s32 $0xC000  }
0x7: {  	s17 =	simm.s32 $0x4;
	s18 =	simm.s32 $0x5;
	s19 =	simm.s32 $0x0  }
0x8: {  	s5 =	sand.u32 $0x1, s1;
	s6 =	sshll.u32 s0, $0x1;
	s1 =	rddreg [dreg:$0x3]  }
0x9: {  	[smem:$0x7FF] =	sst s4;
	s6 =	sor.u32 s5, s6;
	s7 =	ssub.s32 $0x2, s5  }
0xa: {  	_ =	strace $0x80000047;
	s31 =	sshll.u32 s6, $0xE;
	s9 =	sshrl.u32 s7, $0x1  }
0xb: {  	s6 =	sshll.u32 s6, $0x7;
	s5 =	sadd.s32 s8, s31;
	s9 =	ssub.s32 s7, s9  }
0xc: {  	v0 =	vlaneseq.u32;
	v1 =	vimm.s32 $0x0;
	v2 =	vimm.s32 $0x3;
	s8 =	sadd.s32 $0x800, s8;
	s7 =	sadd.s32 $0x400, s5;
	s9 =	smax.u32 s9, $0x1  }
.LBB2_1:
0xd: {  	[tilespmem:s10], [sflag:$0x1] =	stream.linear.gather [hbm4b:s2+s4], $0x8000, $0x38;
	[tilespmem:$0x1C000] =	vst v63  }
0xe: {  	_ = 	snop  }
0xf: {  	[tilespmem:s4], [sflag:$0x2] =	stream.linear.gather [hbm4b:s5+s4], $0x2000, $0x38;
	[tilespmem:$0x1C000] =	vst v63  }
0x10: {  	_ = 	snop  }
0x11: {  	[tilespmem:s11], [sflag:$0x3] =	stream.linear.gather [hbm4b:s7+s4], $0x2000, $0x38;
	[tilespmem:$0x1C000] =	vst v63  }
0x12: {  	_ =	swait.ge [sflag:s12], $0x8000  }
0x13: {  	[sflag:s12] =	ssyncset.done $0x0  }
0x14: {  	s20 =	simm.s32 $0x0;
	[sflag:s12] =	ssyncadd.s32 $0xFFFF8000  }
.LBB2_2:
0x15: {  	s21 =	simm.s32 $0x0  }
0x16: {  	s22 =	simm.s32 $0x0;
	s21 =	sand.u32 $0x1F0, s21  }
0x17: {  	v3 =	vmov s22;
	v4 =	vor.u32 s21, v0  }
0x18: {  	_ =	swait.ge [sflag:s13], $0x2000;
	v3 =	vand.u32 $0x1F80, v3;
	v5 =	vshll.u32 v4, $0x1  }
0x19: {  	p0 =	seq.s32 s20, $0x0;
	[sflag:s13] =	ssyncset.done $0x0;
	v6 =	vor.u32 s22, v5;
	v3 =	vor.u32 v3, v5  }
0x1a: {  	[sflag:s13] =	ssyncadd.s32 $0xFFFFE000;
	s21 =	simm.s32 @!p0 $0x4;
	v3 =	vor.u32 $0x1, v3  }
0x1b: {  	_ =	swait.ge @!p0 [sflag:s21], $0x8000  }
0x1c: {  	[sflag:s21] =	ssyncset.done @!p0 $0x0  }
0x1d: {  	[sflag:s21] =	ssyncadd.s32 @!p0 $0xFFFF8000  }
0x1e: {  	v5 =	vld.idx.msk [tilespmem:v6+s4+$0x0], $0xffff  }
0x1f: {  	v3 =	vld.idx.msk [tilespmem:v3+s4+$0x0], $0xffff;
	_ =	sdelay $0x4  }
0x20: {  	v6 =	vshll.u32 v4, $0x6;
	v9 =	vand.u32 $0x7FFFFFFF, v5;
	v10 =	vand.u32 $0x7FFFFFFF, v3  }
0x21: {  	v8 =	vand.u32 $0x40, v6;
	vm0 =	vlt.f32 v10, v9  }
0x22: {  	v7 =	vsel vm0, $0x1, v1;
	v11 =	vsel vm0, v3, v5;
	v3 =	vsel vm0, v5, v3  }
0x23: {  	v5 =	vsel vm0, $0x2, v2;
	vm1 =	vge.f32 v3, $0.0e+00;
	vm2 =	vge.f32 v11, $0.0e+00  }
0x24: {  	v3 =	vsel vm1, v5, v7;
	v5 =	vsel vm2, $0x1, v1;
	v7 =	vsel vm1, $0x1, v1  }
0x25: {  	v11 =	vadd.s32 v7, v5;
	v5 =	vsel vm0, v5, v7;
	v3 =	vshll.u32 v3, $0x3  }
0x26: {  	v5 =	vadd.s32 v5, v11;
	v3 =	vor.u32 v3, v8  }
0x27: {  	v7 =	vand.u32 $0x7F80, v6;
	v6 =	vshll.u32 v5, $0x3;
	v5 =	vor.u32 $0x20, v3  }
0x28: {  	v8 =	vor.u32 v8, v6;
	v3 =	vor.u32 v7, v5  }
0x29: {  	v6 =	vor.u32 v7, v8;
	_ =	sdelay $0x1  }
0x2a: {  	s22 =	simm.s32 $0x10  }
0x2b: {  	s23 =	simm.s32 $0x0;
	s21 =	sand.u32 $0x1F0, s22  }
0x2c: {  	v13 =	vor.u32 s21, v0;
	v11 =	vmov s23;
	v14 =	vld.idx.msk [tilespmem:v3+s10+$0x0], $0xffff  }
0x2d: {  	v12 =	vshll.u32 v13, $0x1;
	v11 =	vand.u32 $0x1F80, v11;
	v6 =	vld.idx.msk [tilespmem:v6+s10+$0x0], $0xffff  }
0x2e: {  	v15 =	vor.u32 s23, v12;
	v3 =	vor.u32 v11, v12  }
0x2f: {  	v11 =	vor.u32 $0x1, v3;
	v3 =	vmin.f32 v9, v10;
	v9 =	vmax.f32 v9, v10  }
0x30: {  	s24 =	simm.s32 $0x0;
	v10 =	vshll.u32 v4, $0x3;
	v4 =	vsub.f32 v9, v3  }
0x31: {  	v9 =	vor.u32 $0x1, v7;
	v12 =	vor.u32 s24, v10  }
0x32: {  	v16 =	vor.u32 v8, v9;
	v14 =	vmul.f32 v4, v14;
	v6 =	vmul.f32 v3, v6  }
0x33: {  	v15 =	vld.idx.msk [tilespmem:v15+s4+$0x0], $0xffff;
	v9 =	vor.u32 v5, v9  }
0x34: {  	v11 =	vld.idx.msk [tilespmem:v11+s4+$0x0], $0xffff;
	v6 =	vadd.f32 v14, v6;
	_ =	sdelay $0x1  }
0x35: {  	[tilespmem:v12+s14+$0x0] =	vst.idx.msk $0xffff, v6  }
0x36: {  	v17 =	vshll.u32 v13, $0x6;
	v12 =	vld.idx.msk [tilespmem:v16+s10+$0x0], $0xffff  }
0x37: {  	v18 =	vand.u32 $0x40, v17;
	v6 =	vmov s24;
	v9 =	vld.idx.msk [tilespmem:v9+s10+$0x0], $0xffff  }
0x38: {  	v14 =	vand.u32 $0x7FFFFFFF, v15;
	v16 =	vand.u32 $0x7FFFFFFF, v11;
	v6 =	vand.u32 $0x7F80, v6  }
0x39: {  	v20 =	vor.u32 $0x2, v7;
	vm10 =	vlt.f32 v16, v14;
	v6 =	vor.u32 v6, v10  }
0x3a: {  	v10 =	vsel vm10, $0x1, v1;
	v19 =	vor.u32 $0x1, v6;
	v21 =	vsel vm10, v15, v11  }
0x3b: {  	v11 =	vsel vm10, v11, v15;
	v15 =	vsel vm10, $0x2, v2;
	vm11 =	vge.f32 v21, $0.0e+00  }
0x3c: {  	v21 =	vor.u32 v8, v20;
	v12 =	vmul.f32 v12, v3;
	v9 =	vmul.f32 v9, v4  }
0x3d: {  	vm12 =	vge.f32 v11, $0.0e+00;
	v10 =	vsel vm11, v15, v10;
	v15 =	vor.u32 v5, v20  }
0x3e: {  	v11 =	vsel vm12, $0x1, v1;
	v20 =	vsel vm11, $0x1, v1;
	v9 =	vadd.f32 v9, v12  }
0x3f: {  	v10 =	vshll.u32 v10, $0x3;
	v12 =	vadd.s32 v20, v11;
	v11 =	vsel vm10, v11, v20  }
0x40: {  	v10 =	vor.u32 v10, v18;
	v12 =	vadd.s32 v11, v12;
	[tilespmem:v19+s14+$0x0] =	vst.idx.msk $0xffff, v9  }
0x41: {  	v10 =	vor.u32 $0x20, v10;
	v11 =	vand.u32 $0x7F80, v17;
	v12 =	vshll.u32 v12, $0x3;
	v9 =	vld.idx.msk [tilespmem:v21+s10+$0x0], $0xffff  }
0x42: {  	s25 =	simm.s32 $0x20;
	v17 =	vor.u32 v11, v10;
	v15 =	vld.idx.msk [tilespmem:v15+s10+$0x0], $0xffff;
	v12 =	vor.u32 v18, v12  }
0x43: {  	s21 =	sand.u32 $0x1F0, s25;
	v18 =	vor.u32 v11, v12  }
0x44: {  	v22 =	vor.u32 $0x3, v7;
	v20 =	vor.u32 s21, v0  }
0x45: {  	s26 =	simm.s32 $0x0;
	v25 =	vor.u32 v8, v22;
	v21 =	vshll.u32 v20, $0x1  }
0x46: {  	v24 =	vor.u32 $0x2, v6;
	v19 =	vmov s26;
	v23 =	vor.u32 s26, v21  }
0x47: {  	v19 =	vand.u32 $0x1F80, v19;
	v17 =	vld.idx.msk [tilespmem:v17+s10+$0x0], $0xffff;
	v9 =	vmul.f32 v9, v3;
	v15 =	vmul.f32 v15, v4  }
0x48: {  	v19 =	vor.u32 v19, v21;
	v21 =	vor.u32 v5, v22;
	v18 =	vld.idx.msk [tilespmem:v18+s10+$0x0], $0xffff  }
0x49: {  	v15 =	vadd.f32 v15, v9  }
0x4a: {  	v19 =	vor.u32 $0x1, v19;
	v9 =	vmin.f32 v14, v16;
	v14 =	vmax.f32 v14, v16  }
0x4b: {  	s28 =	simm.s32 $0x0;
	v22 =	vld.idx.msk [tilespmem:v23+s4+$0x0], $0xffff;
	v16 =	vshll.u32 v13, $0x3;
	v13 =	vsub.f32 v14, v9;
	[tilespmem:v24+s14+$0x0] =	vst.idx.msk $0xffff, v15  }
0x4c: {  	v14 =	vor.u32 $0x1, v11;
	v24 =	vor.u32 s28, v16;
	v23 =	vld.idx.msk [tilespmem:v25+s10+$0x0], $0xffff  }
0x4d: {  	v25 =	vor.u32 v12, v14;
	v21 =	vld.idx.msk [tilespmem:v21+s10+$0x0], $0xffff;
	v17 =	vmul.f32 v13, v17;
	v15 =	vmul.f32 v9, v18  }
0x4e: {  	v14 =	vor.u32 v10, v14  }
0x4f: {  	v18 =	vld.idx.msk [tilespmem:v19+s4+$0x0], $0xffff;
	v17 =	vadd.f32 v17, v15  }
0x50: {  	v26 =	vshll.u32 v20, $0x6;
	v31 =	vor.u32 $0x2, v11;
	v19 =	vmov s28  }
0x51: {  	v28 =	vand.u32 $0x7FFFFFFF, v22;
	[tilespmem:v24+s14+$0x0] =	vst.idx.msk $0xffff, v17;
	v17 =	vor.u32 $0x3, v6;
	v24 =	vor.u32 $0x4, v7  }
0x52: {  	v23 =	vmul.f32 v23, v3;
	v21 =	vmul.f32 v21, v4;
	v25 =	vld.idx.msk [tilespmem:v25+s10+$0x0], $0xffff;
	v27 =	vor.u32 v8, v24  }
0x53: {  	v19 =	vand.u32 $0x7F80, v19;
	v15 =	vand.u32 $0x7F80, v26;
	v30 =	vld.idx.msk [tilespmem:v14+s10+$0x0], $0xffff;
	v24 =	vor.u32 v5, v24  }
0x54: {  	v29 =	vand.u32 $0x7FFFFFFF, v18;
	v14 =	vor.u32 v19, v16;
	v16 =	vadd.f32 v21, v23  }
0x55: {  	v19 =	vand.u32 $0x40, v26;
	vm13 =	vlt.f32 v29, v28;
	v21 =	vor.u32 $0x5, v7  }
0x56: {  	v26 =	vor.u32 $0x1, v14;
	v23 =	vsel vm13, $0x1, v1;
	v32 =	vsel vm13, v22, v18;
	[tilespmem:v17+s14+$0x0] =	vst.idx.msk $0xffff, v16  }
0x57: {  	vm14 =	vge.f32 v32, $0.0e+00;
	v16 =	vsel vm13, v18, v22;
	v17 =	vsel vm13, $0x2, v2;
	v18 =	vld.idx.msk [tilespmem:v27+s10+$0x0], $0xffff  }
0x58: {  	v22 =	vor.u32 v12, v31;
	v24 =	vld.idx.msk [tilespmem:v24+s10+$0x0], $0xffff;
	v25 =	vmul.f32 v25, v9;
	v27 =	vmul.f32 v30, v13  }
0x59: {  	vm15 =	vge.f32 v16, $0.0e+00;
	v16 =	vsel vm14, v17, v23;
	v17 =	vor.u32 v10, v31  }
0x5a: {  	v30 =	vsel vm14, $0x1, v1;
	v23 =	vsel vm15, $0x1, v1;
	v25 =	vadd.f32 v27, v25  }
0x5b: {  	v16 =	vshll.u32 v16, $0x3;
	v27 =	vadd.s32 v30, v23;
	v23 =	vsel vm13, v23, v30  }
0x5c: {  	v30 =	vor.u32 $0x4, v6;
	v16 =	vor.u32 v16, v19;
	v23 =	vadd.s32 v23, v27;
	[tilespmem:v26+s14+$0x0] =	vst.idx.msk $0xffff, v25  }
0x5d: {  	v26 =	vor.u32 v8, v21;
	v25 =	vmul.f32 v18, v3;
	v24 =	vmul.f32 v24, v4  }
0x5e: {  	v23 =	vshll.u32 v23, $0x3;
	v18 =	vor.u32 $0x20, v16;
	v16 =	vld.idx.msk [tilespmem:v17+s10+$0x0], $0xffff;
	v17 =	vor.u32 v5, v21  }
0x5f: {  	s22 =	simm.s32 $0x30;
	v22 =	vld.idx.msk [tilespmem:v22+s10+$0x0], $0xffff;
	v19 =	vor.u32 v19, v23;
	v23 =	vor.u32 v15, v18;
	v24 =	vadd.f32 v24, v25  }
0x60: {  	s29 =	sand.u32 $0x1F0, s22;
	v38 =	vor.u32 $0x6, v7;
	v27 =	vor.u32 v15, v19  }
0x61: {  	s23 =	simm.s32 $0x0;
	v40 =	vor.u32 $0x5, v6;
	v59 =	vor.u32 $0x2, v14;
	v21 =	vor.u32 s29, v0;
	[tilespmem:v30+s14+$0x0] =	vst.idx.msk $0xffff, v24  }
0x62: {  	v31 =	vshll.u32 v21, $0x1;
	v25 =	vmov s23;
	v24 =	vor.u32 $0x3, v11;
	v26 =	vld.idx.msk [tilespmem:v26+s10+$0x0], $0xffff  }
0x63: {  	v25 =	vand.u32 $0x1F80, v25;
	v30 =	vor.u32 s23, v31;
	v33 =	vor.u32 v12, v24;
	v34 =	vld.idx.msk [tilespmem:v17+s10+$0x0], $0xffff  }
0x64: {  	v17 =	vmul.f32 v22, v9;
	v16 =	vmul.f32 v16, v13;
	v22 =	vld.idx.msk [tilespmem:v23+s10+$0x0], $0xffff;
	v23 =	vor.u32 v25, v31  }
0x65: {  	v20 =	vshll.u32 v20, $0x3;
	v36 =	vor.u32 v10, v24;
	v27 =	vld.idx.msk [tilespmem:v27+s10+$0x0], $0xffff;
	v37 =	vor.u32 $0x1, v23  }
0x66: {  	v23 =	vadd.f32 v16, v17;
	v17 =	vmin.f32 v28, v29;
	v16 =	vmax.f32 v28, v29  }
0x67: {  	s30 =	simm.s32 $0x0;
	v39 =	vor.u32 $0x1, v15;
	v25 =	vor.u32 v8, v38;
	v16 =	vsub.f32 v16, v17  }
0x68: {  	v35 =	vmov s30;
	[tilespmem:v59+s14+$0x0] =	vst.idx.msk $0xffff, v23;
	v24 =	vld.idx.msk [tilespmem:v30+s4+$0x0], $0xffff;
	v26 =	vmul.f32 v26, v3;
	v60 =	vmul.f32 v34, v4  }
0x69: {  	v31 =	vor.u32 s30, v20;
	v28 =	vor.u32 v19, v39;
	v23 =	vor.u32 v5, v38;
	v29 =	vld.idx.msk [tilespmem:v33+s10+$0x0], $0xffff  }
0x6a: {  	v30 =	vld.idx.msk [tilespmem:v36+s10+$0x0], $0xffff;
	v61 =	vmul.f32 v17, v27;
	v62 =	vmul.f32 v16, v22;
	v63 =	vadd.f32 v60, v26  }
0x6b: {  	s31 =	sshll.u32 s20, $0x4;
	v35 =	vand.u32 $0x7F80, v35;
	v32 =	vor.u32 v18, v39;
	v27 =	vshll.u32 v21, $0x6;
	v26 =	vld.idx.msk [tilespmem:v37+s4+$0x0], $0xffff  }
0x6c: {  	s24 =	simm.s32 $0x4;
	s21 =	sor.u32 s6, s31;
	s23 =	simm.s32 $0x0;
	v20 =	vor.u32 v35, v20;
	v22 =	vand.u32 $0x7F80, v27;
	v33 =	vadd.f32 v62, v61;
	[tilespmem:v40+s14+$0x0] =	vst.idx.msk $0xffff, v63  }
.LBB2_3:
0x6d: {  	p1 =	sne.s32 s24, $0xFF;
	v27 =	vand.u32 $0x40, v27;
	v25 =	vld.idx.msk [tilespmem:v25+s10+$0x0], $0xffff;
	v34 =	vor.u32 $0x6, v6;
	v35 =	vor.u32 $0x7, v7;
	v7 =	vmovc v11;
	v11 =	vmovc v15  }
0x6e: {  	v15 =	vmovc v22;
	[tilespmem:v31+s14+$0x0] =	vst.idx.msk $0xffff, v33;
	v31 =	vor.u32 $0x3, v14;
	v33 =	vor.u32 $0x4, v7;
	v36 =	vor.u32 $0x5, v7;
	v23 =	vld.idx.msk [tilespmem:v23+s10+$0x0], $0xffff  }
0x6f: {  	v22 =	vld.idx.msk [tilespmem:v28+s10+$0x0], $0xffff;
	v28 =	vmul.f32 v29, v9;
	v29 =	vmul.f32 v30, v13;
	v30 =	vor.u32 v12, v33  }
0x70: {  	v37 =	vand.u32 $0x7FFFFFFF, v24;
	v38 =	vand.u32 $0x7FFFFFFF, v26;
	v33 =	vor.u32 v10, v33;
	v32 =	vld.idx.msk [tilespmem:v32+s10+$0x0], $0xffff  }
0x71: {  	vm0 =	vlt.f32 v38, v37;
	v28 =	vadd.f32 v29, v28;
	v29 =	vor.u32 $0x4, v14  }
0x72: {  	v40 =	vor.u32 $0x1, v20;
	v41 =	vor.u32 $0x2, v11;
	v39 =	vsel vm0, $0x1, v1  }
0x73: {  	v42 =	vsel vm0, v26, v24;
	v24 =	vsel vm0, v24, v26;
	v26 =	vsel vm0, $0x2, v2;
	[tilespmem:v31+s14+$0x0] =	vst.idx.msk $0xffff, v28  }
0x74: {  	v25 =	vmul.f32 v25, v3;
	v23 =	vmul.f32 v23, v4;
	v28 =	vld.idx.msk [tilespmem:v30+s10+$0x0], $0xffff;
	v30 =	vor.u32 v8, v35  }
0x75: {  	vm1 =	vge.f32 v24, $0.0e+00;
	v24 =	vor.u32 v19, v41;
	v31 =	vld.idx.msk [tilespmem:v33+s10+$0x0], $0xffff;
	v33 =	vor.u32 v5, v35;
	v5 =	vmovc v10  }
0x76: {  	v22 =	vmul.f32 v22, v17;
	v32 =	vmul.f32 v32, v16;
	v23 =	vadd.f32 v23, v25;
	v10 =	vmovc v18  }
0x77: {  	vm2 =	vge.f32 v42, $0.0e+00;
	v8 =	vmovc v12;
	v12 =	vmovc v19;
	v18 =	vsel vm1, v26, v39;
	v25 =	vor.u32 v10, v41  }
0x78: {  	v19 =	vsel vm2, $0x1, v1;
	v26 =	vsel vm1, $0x1, v1;
	v22 =	vadd.f32 v32, v22;
	[tilespmem:v34+s14+$0x0] =	vst.idx.msk $0xffff, v23  }
0x79: {  	v18 =	vshll.u32 v18, $0x3;
	v23 =	vadd.s32 v26, v19;
	v19 =	vsel vm0, v19, v26;
	v26 =	vld.idx.msk [tilespmem:v30+s10+$0x0], $0xffff  }
0x7a: {  	v18 =	vor.u32 v18, v27;
	v19 =	vadd.s32 v19, v23;
	[tilespmem:v40+s14+$0x0] =	vst.idx.msk $0xffff, v22;
	v22 =	vld.idx.msk [tilespmem:v33+s10+$0x0], $0xffff  }
0x7b: {  	v30 =	vor.u32 v8, v36;
	v23 =	vld.idx.msk [tilespmem:v24+s10+$0x0], $0xffff;
	v24 =	vmul.f32 v28, v9;
	v28 =	vmul.f32 v31, v13  }
0x7c: {  	s25 =	sshrl.u32 s24, $0x5;
	s22 =	sadd.s32 $0x10, s22;
	v18 =	vor.u32 $0x20, v18;
	v19 =	vshll.u32 v19, $0x3;
	v31 =	vor.u32 v5, v36;
	v25 =	vld.idx.msk [tilespmem:v25+s10+$0x0], $0xffff  }
0x7d: {  	s26 =	sand.u32 $0x1F0, s22;
	s28 =	sshll.u32 s25, $0xA;
	v19 =	vor.u32 v27, v19;
	v27 =	vor.u32 v15, v18;
	v24 =	vadd.f32 v28, v24  }
0x7e: {  	v32 =	vmov s28;
	v33 =	vor.u32 v15, v19;
	v28 =	vor.u32 s26, v0  }
0x7f: {  	v32 =	vand.u32 $0x1F80, v32;
	v34 =	vshll.u32 v28, $0x1;
	[tilespmem:v29+s14+$0x0] =	vst.idx.msk $0xffff, v24;
	v24 =	vor.u32 $0x7, v6;
	v6 =	vmovc v14;
	v14 =	vmovc v20  }
0x80: {  	v26 =	vmul.f32 v26, v3;
	v3 =	vmovc v9;
	v20 =	vor.u32 $0x3, v11;
	v22 =	vmul.f32 v22, v4;
	v30 =	vld.idx.msk [tilespmem:v30+s10+$0x0], $0xffff  }
0x81: {  	v9 =	vmovc v17;
	v29 =	vor.u32 s28, v34;
	v4 =	vmovc v13;
	v35 =	vor.u32 $0x2, v14;
	v36 =	vor.u32 v12, v20;
	v31 =	vld.idx.msk [tilespmem:v31+s10+$0x0], $0xffff  }
0x82: {  	s26 =	sshll.u32 s23, $0xC;
	s23 =	smov.u32 s25;
	v17 =	vmul.f32 v23, v9;
	v23 =	vmul.f32 v25, v16;
	v22 =	vadd.f32 v22, v26;
	v27 =	vld.idx.msk [tilespmem:v27+s10+$0x0], $0xffff  }
0x83: {  	v13 =	vmovc v16;
	v20 =	vor.u32 v10, v20;
	v25 =	vor.u32 v32, v34;
	v34 =	vmov s26;
	v32 =	vld.idx.msk [tilespmem:v33+s10+$0x0], $0xffff  }
0x84: {  	v39 =	vshll.u32 v21, $0x3;
	v21 =	vmovc v28;
	v26 =	vor.u32 $0x1, v25;
	v23 =	vadd.f32 v23, v17;
	[tilespmem:v24+s14+$0x0] =	vst.idx.msk $0xffff, v22  }
0x85: {  	v16 =	vmax.f32 v37, v38;
	v17 =	vmin.f32 v37, v38;
	v22 =	vor.u32 $0x6, v7  }
0x86: {  	v33 =	vor.u32 $0x1, v15;
	v16 =	vsub.f32 v16, v17;
	v24 =	vld.idx.msk [tilespmem:v29+s4+$0x0], $0xffff;
	[tilespmem:v35+s14+$0x0] =	vst.idx.msk $0xffff, v23;
	v35 =	vor.u32 $0x5, v6  }
.Ltmp0:
0x87: {  	v25 =	vor.u32 v8, v22;
	v37 =	vmul.f32 v31, v4;
	v29 =	vld.idx.msk [tilespmem:v36+s10+$0x0], $0xffff;
	v36 =	vmul.f32 v30, v3;
	(pc) =	sbr.rel @p1 .LBB2_3-.Ltmp0, $4  }
0x88: {  	v28 =	vor.u32 v19, v33;
	v31 =	vor.u32 s26, v39;
	v23 =	vor.u32 v5, v22;
	v30 =	vld.idx.msk [tilespmem:v20+s10+$0x0], $0xffff  }
0x89: {  	v38 =	vmul.f32 v16, v27;
	v20 =	vmul.f32 v17, v32;
	v26 =	vld.idx.msk [tilespmem:v26+s4+$0x0], $0xffff;
	v36 =	vadd.f32 v37, v36  }
0x8a: {  	v34 =	vand.u32 $0x7F80, v34;
	v27 =	vshll.u32 v21, $0x6;
	v32 =	vor.u32 v18, v33  }
0x8b: {  	s24 =	sadd.s32 $0x1, s24;
	v22 =	vand.u32 $0x7F80, v27;
	v33 =	vadd.f32 v38, v20;
	v20 =	vor.u32 v34, v39;
	[tilespmem:v35+s14+$0x0] =	vst.idx.msk $0xffff, v36  }
0x8c: {  	_ =	sdelay $0x1  }
0x8d: {  	v34 =	vand.u32 $0x7FFFFFFF, v24;
	v35 =	vand.u32 $0x7FFFFFFF, v26  }
0x8e: {  	v27 =	vand.u32 $0x40, v27;
	vm0 =	vlt.f32 v35, v34  }
0x8f: {  	v36 =	vsel vm0, $0x1, v1;
	v37 =	vsel vm0, v26, v24;
	v24 =	vsel vm0, v24, v26  }
0x90: {  	v26 =	vsel vm0, $0x2, v2;
	vm1 =	vge.f32 v24, $0.0e+00;
	vm2 =	vge.f32 v37, $0.0e+00  }
0x91: {  	v24 =	vsel vm1, v26, v36;
	v26 =	vsel vm2, $0x1, v1;
	v58 =	vsel vm1, $0x1, v1  }
0x92: {  	v59 =	vadd.s32 v58, v26;
	v26 =	vsel vm0, v26, v58;
	v24 =	vshll.u32 v24, $0x3  }
0x93: {  	v26 =	vadd.s32 v26, v59;
	v24 =	vor.u32 v24, v27  }
0x94: {  	v60 =	vshll.u32 v26, $0x3;
	v26 =	vor.u32 $0x20, v24  }
0x95: {  	v27 =	vor.u32 v27, v60;
	v24 =	vor.u32 v22, v26  }
0x96: {  	v36 =	vor.u32 v22, v27;
	_ =	sdelay $0x3  }
0x97: {  	v61 =	vld.idx.msk [tilespmem:v24+s10+$0x0], $0xffff  }
0x98: {  	v36 =	vld.idx.msk [tilespmem:v36+s10+$0x0], $0xffff;
	_ =	sdelay $0x1  }
0x99: {  	v24 =	vmin.f32 v34, v35;
	v34 =	vmax.f32 v34, v35  }
0x9a: {  	s22 =	sshll.u32 s23, $0xC;
	v62 =	vshll.u32 v21, $0x3;
	v21 =	vsub.f32 v34, v24  }
0x9b: {  	v63 =	vor.u32 $0x1, v22;
	v38 =	vor.u32 s22, v62  }
0x9c: {  	v39 =	vor.u32 v27, v63;
	v37 =	vmul.f32 v21, v61;
	v36 =	vmul.f32 v24, v36  }
0x9d: {  	[tilespmem:v31+s14+$0x0] =	vst.idx.msk $0xffff, v33;
	v31 =	vor.u32 v26, v63  }
0x9e: {  	v28 =	vld.idx.msk [tilespmem:v28+s10+$0x0], $0xffff;
	v41 =	vadd.f32 v37, v36  }
0x9f: {  	v32 =	vld.idx.msk [tilespmem:v32+s10+$0x0], $0xffff  }
0xa0: {  	[tilespmem:v38+s14+$0x0] =	vst.idx.msk $0xffff, v41  }
0xa1: {  	v33 =	vld.idx.msk [tilespmem:v39+s10+$0x0], $0xffff  }
0xa2: {  	v42 =	vor.u32 $0x2, v15;
	v31 =	vld.idx.msk [tilespmem:v31+s10+$0x0], $0xffff  }
0xa3: {  	v43 =	vor.u32 $0x1, v20;
	v45 =	vmov s22;
	v46 =	vmul.f32 v28, v17  }
0xa4: {  	v32 =	vmul.f32 v32, v16;
	v28 =	vand.u32 $0x7F80, v45;
	v34 =	vor.u32 v18, v42  }
0xa5: {  	v44 =	vor.u32 v19, v42;
	v28 =	vor.u32 v28, v62  }
0xa6: {  	v47 =	vor.u32 $0x2, v22;
	v32 =	vadd.f32 v32, v46;
	v35 =	vor.u32 $0x1, v28  }
0xa7: {  	v48 =	vor.u32 v27, v47;
	v33 =	vmul.f32 v33, v24;
	v31 =	vmul.f32 v31, v21  }
0xa8: {  	v49 =	vor.u32 v26, v47;
	[tilespmem:v43+s14+$0x0] =	vst.idx.msk $0xffff, v32  }
0xa9: {  	v50 =	vld.idx.msk [tilespmem:v34+s10+$0x0], $0xffff;
	v31 =	vadd.f32 v31, v33  }
0xaa: {  	v36 =	vld.idx.msk [tilespmem:v44+s10+$0x0], $0xffff  }
0xab: {  	[tilespmem:v35+s14+$0x0] =	vst.idx.msk $0xffff, v31  }
0xac: {  	v31 =	vld.idx.msk [tilespmem:v48+s10+$0x0], $0xffff  }
0xad: {  	v32 =	vld.idx.msk [tilespmem:v49+s10+$0x0], $0xffff  }
0xae: {  	v51 =	vor.u32 $0x3, v15;
	v52 =	vor.u32 $0x2, v20  }
0xaf: {  	v53 =	vor.u32 v19, v51;
	v36 =	vmul.f32 v36, v17;
	v33 =	vmul.f32 v50, v16  }
0xb0: {  	v34 =	vor.u32 v18, v51  }
0xb1: {  	v54 =	vor.u32 $0x3, v22;
	v55 =	vor.u32 $0x2, v28;
	v33 =	vadd.f32 v33, v36  }
0xb2: {  	v56 =	vor.u32 v27, v54;
	v31 =	vmul.f32 v31, v24;
	v32 =	vmul.f32 v32, v21  }
0xb3: {  	v57 =	vor.u32 v26, v54;
	[tilespmem:v52+s14+$0x0] =	vst.idx.msk $0xffff, v33  }
0xb4: {  	v35 =	vld.idx.msk [tilespmem:v53+s10+$0x0], $0xffff;
	v31 =	vadd.f32 v32, v31  }
0xb5: {  	v58 =	vld.idx.msk [tilespmem:v34+s10+$0x0], $0xffff  }
0xb6: {  	v59 =	vor.u32 $0x3, v14;
	v60 =	vor.u32 $0x4, v11;
	[tilespmem:v55+s14+$0x0] =	vst.idx.msk $0xffff, v31  }
0xb7: {  	v29 =	vmul.f32 v29, v9;
	v30 =	vmul.f32 v30, v13;
	v36 =	vor.u32 v10, v60;
	v61 =	vld.idx.msk [tilespmem:v56+s10+$0x0], $0xffff  }
0xb8: {  	v31 =	vor.u32 v12, v60;
	v33 =	vld.idx.msk [tilespmem:v57+s10+$0x0], $0xffff  }
0xb9: {  	v29 =	vadd.f32 v30, v29;
	v30 =	vor.u32 $0x3, v20;
	v62 =	vor.u32 $0x4, v15  }
0xba: {  	v63 =	vor.u32 v19, v62;
	v35 =	vmul.f32 v35, v17;
	v32 =	vmul.f32 v58, v16  }
0xbb: {  	[tilespmem:v59+s14+$0x0] =	vst.idx.msk $0xffff, v29;
	v29 =	vor.u32 v18, v62  }
0xbc: {  	v42 =	vor.u32 $0x4, v22;
	v41 =	vor.u32 $0x3, v28;
	v36 =	vld.idx.msk [tilespmem:v36+s10+$0x0], $0xffff;
	v32 =	vadd.f32 v32, v35  }
0xbd: {  	v43 =	vor.u32 v27, v42;
	v31 =	vld.idx.msk [tilespmem:v31+s10+$0x0], $0xffff;
	v37 =	vmul.f32 v61, v24;
	v33 =	vmul.f32 v33, v21  }
0xbe: {  	[tilespmem:v30+s14+$0x0] =	vst.idx.msk $0xffff, v32;
	v30 =	vor.u32 v26, v42  }
0xbf: {  	v32 =	vld.idx.msk [tilespmem:v63+s10+$0x0], $0xffff;
	v33 =	vadd.f32 v33, v37  }
0xc0: {  	v29 =	vld.idx.msk [tilespmem:v29+s10+$0x0], $0xffff  }
0xc1: {  	v45 =	vor.u32 $0x4, v14;
	[tilespmem:v41+s14+$0x0] =	vst.idx.msk $0xffff, v33  }
0xc2: {  	v44 =	vor.u32 $0x5, v11;
	v46 =	vmul.f32 v36, v13;
	v31 =	vmul.f32 v31, v9;
	v48 =	vld.idx.msk [tilespmem:v43+s10+$0x0], $0xffff  }
0xc3: {  	v47 =	vor.u32 v12, v44;
	v50 =	vor.u32 $0x4, v20;
	v30 =	vld.idx.msk [tilespmem:v30+s10+$0x0], $0xffff  }
0xc4: {  	v49 =	vor.u32 $0x5, v15;
	v35 =	vor.u32 v10, v44;
	v31 =	vadd.f32 v46, v31  }
0xc5: {  	v51 =	vor.u32 v19, v49;
	v32 =	vmul.f32 v32, v17;
	v29 =	vmul.f32 v29, v16  }
0xc6: {  	[tilespmem:v45+s14+$0x0] =	vst.idx.msk $0xffff, v31;
	v31 =	vor.u32 v18, v49  }
0xc7: {  	v54 =	vor.u32 $0x4, v28;
	v53 =	vor.u32 $0x5, v22;
	v29 =	vadd.f32 v29, v32  }
0xc8: {  	v55 =	vor.u32 v27, v53;
	v52 =	vld.idx.msk [tilespmem:v47+s10+$0x0], $0xffff;
	v36 =	vmul.f32 v48, v24;
	v30 =	vmul.f32 v30, v21  }
0xc9: {  	[tilespmem:v50+s14+$0x0] =	vst.idx.msk $0xffff, v29;
	v29 =	vor.u32 v26, v53;
	v35 =	vld.idx.msk [tilespmem:v35+s10+$0x0], $0xffff  }
0xca: {  	v56 =	vld.idx.msk [tilespmem:v51+s10+$0x0], $0xffff;
	v30 =	vadd.f32 v30, v36  }
0xcb: {  	v31 =	vld.idx.msk [tilespmem:v31+s10+$0x0], $0xffff  }
0xcc: {  	[tilespmem:v54+s14+$0x0] =	vst.idx.msk $0xffff, v30  }
0xcd: {  	v58 =	vor.u32 $0x5, v14;
	v57 =	vor.u32 $0x6, v11;
	v61 =	vld.idx.msk [tilespmem:v55+s10+$0x0], $0xffff  }
0xce: {  	v60 =	vor.u32 v12, v57;
	v30 =	vmul.f32 v52, v9;
	v59 =	vmul.f32 v35, v13;
	v29 =	vld.idx.msk [tilespmem:v29+s10+$0x0], $0xffff  }
0xcf: {  	v62 =	vor.u32 $0x6, v15;
	v63 =	vor.u32 $0x5, v20;
	v36 =	vor.u32 v10, v57  }
0xd0: {  	v25 =	vld.idx.msk [tilespmem:v25+s10+$0x0], $0xffff;
	v32 =	vmul.f32 v56, v17;
	v30 =	vadd.f32 v59, v30;
	v31 =	vmul.f32 v31, v16  }
0xd1: {  	v23 =	vld.idx.msk [tilespmem:v23+s10+$0x0], $0xffff;
	v44 =	vor.u32 $0x6, v22;
	v42 =	vor.u32 v19, v62  }
0xd2: {  	v45 =	vor.u32 $0x5, v28;
	[tilespmem:v58+s14+$0x0] =	vst.idx.msk $0xffff, v30;
	v30 =	vor.u32 v18, v62;
	v31 =	vadd.f32 v31, v32  }
0xd3: {  	v46 =	vor.u32 v27, v44;
	v43 =	vld.idx.msk [tilespmem:v60+s10+$0x0], $0xffff;
	v35 =	vmul.f32 v61, v24;
	v29 =	vmul.f32 v29, v21  }
0xd4: {  	v36 =	vld.idx.msk [tilespmem:v36+s10+$0x0], $0xffff;
	[tilespmem:v63+s14+$0x0] =	vst.idx.msk $0xffff, v31;
	v31 =	vor.u32 v26, v44  }
0xd5: {  	v48 =	vor.u32 $0x6, v6;
	v29 =	vadd.f32 v29, v35  }
0xd6: {  	v7 =	vor.u32 $0x7, v7;
	v25 =	vmul.f32 v25, v3;
	v23 =	vmul.f32 v23, v4;
	v47 =	vld.idx.msk [tilespmem:v42+s10+$0x0], $0xffff  }
0xd7: {  	v8 =	vor.u32 v8, v7;
	v5 =	vor.u32 v5, v7;
	v30 =	vld.idx.msk [tilespmem:v30+s10+$0x0], $0xffff;
	[tilespmem:v45+s14+$0x0] =	vst.idx.msk $0xffff, v29  }
0xd8: {  	v7 =	vadd.f32 v23, v25;
	v25 =	vor.u32 $0x6, v20;
	v49 =	vor.u32 $0x6, v14;
	v34 =	vld.idx.msk [tilespmem:v46+s10+$0x0], $0xffff  }
0xd9: {  	v11 =	vor.u32 $0x7, v11;
	v29 =	vmul.f32 v43, v9;
	v50 =	vmul.f32 v36, v13;
	v23 =	vld.idx.msk [tilespmem:v31+s10+$0x0], $0xffff  }
0xda: {  	v15 =	vor.u32 $0x7, v15;
	v12 =	vor.u32 v12, v11;
	v10 =	vor.u32 v10, v11;
	[tilespmem:v48+s14+$0x0] =	vst.idx.msk $0xffff, v7  }
0xdb: {  	v7 =	vor.u32 v19, v15;
	v15 =	vor.u32 v18, v15;
	v11 =	vadd.f32 v50, v29  }
0xdc: {  	v19 =	vor.u32 $0x7, v22;
	v29 =	vmul.f32 v47, v17;
	v30 =	vmul.f32 v30, v16  }
0xdd: {  	v8 =	vld.idx.msk [tilespmem:v8+s10+$0x0], $0xffff;
	v27 =	vor.u32 v27, v19;
	v18 =	vor.u32 $0x6, v28;
	[tilespmem:v49+s14+$0x0] =	vst.idx.msk $0xffff, v11  }
0xde: {  	v5 =	vld.idx.msk [tilespmem:v5+s10+$0x0], $0xffff;
	v11 =	vadd.f32 v30, v29;
	v22 =	vmul.f32 v34, v24;
	v23 =	vmul.f32 v23, v21  }
0xdf: {  	v19 =	vor.u32 v26, v19;
	v12 =	vld.idx.msk [tilespmem:v12+s10+$0x0], $0xffff  }
0xe0: {  	v10 =	vld.idx.msk [tilespmem:v10+s10+$0x0], $0xffff;
	[tilespmem:v25+s14+$0x0] =	vst.idx.msk $0xffff, v11;
	v11 =	vadd.f32 v23, v22  }
0xe1: {  	v7 =	vld.idx.msk [tilespmem:v7+s10+$0x0], $0xffff  }
0xe2: {  	v15 =	vld.idx.msk [tilespmem:v15+s10+$0x0], $0xffff;
	[tilespmem:v18+s14+$0x0] =	vst.idx.msk $0xffff, v11  }
0xe3: {  	v11 =	vld.idx.msk [tilespmem:v27+s10+$0x0], $0xffff  }
0xe4: {  	v3 =	vmul.f32 v8, v3;
	v4 =	vmul.f32 v5, v4;
	v5 =	vld.idx.msk [tilespmem:v19+s10+$0x0], $0xffff  }
0xe5: {  	v6 =	vor.u32 $0x7, v6  }
0xe6: {  	v3 =	vadd.f32 v4, v3;
	v4 =	vor.u32 $0x7, v14  }
0xe7: {  	v8 =	vmul.f32 v12, v9;
	v9 =	vmul.f32 v10, v13;
	v10 =	vor.u32 $0x7, v20  }
0xe8: {  	v13 =	vor.u32 $0x7, v28;
	v7 =	vmul.f32 v7, v17;
	v12 =	vmul.f32 v15, v16  }
0xe9: {  	v8 =	vadd.f32 v9, v8;
	v9 =	vmul.f32 v11, v24;
	v5 =	vmul.f32 v5, v21  }
0xea: {  	[tilespmem:v6+s14+$0x0] =	vst.idx.msk $0xffff, v3;
	v3 =	vadd.f32 v12, v7  }
0xeb: {  	p1 =	seq.s32 s20, $0x7;
	[tilespmem:v4+s14+$0x0] =	vst.idx.msk $0xffff, v8;
	v4 =	vadd.f32 v5, v9  }
0xec: {  	s28 =	sshll.u32 s21, $0x9;
	s22 =	sshll.u32 @!p1 s21, $0x7;
	[tilespmem:v10+s14+$0x0] =	vst.idx.msk $0xffff, v3  }
0xed: {  	s29 =	simm.s32 $0x0;
	s23 =	simm.s32 @!p1 $0x0;
	s22 =	sadd.s32 @!p1 s22, s8;
	[tilespmem:v13+s14+$0x0] =	vst.idx.msk $0xffff, v4  }
0xee: {  	[tilespmem:s23], [sflag:$0x2] =	stream.linear.gather @!p1 [hbm4b:s22+s23], $0x2000, $0x38;
	[tilespmem:$0x1C000] =	vst v63  }
0xef: {  	s24 =	simm.s32 $0x0;
	s22 =	sadd.s32 s3, s28;
	s23 =	sand.u32 $0x1F0, s29  }
0xf0: {  	v3 =	vmov s24;
	v4 =	vor.u32 s23, v0;
	[hbm4b:s22+s4] =	stream.linear.scatter [tilespmem:s14], [sflag:$0x4], $0x8000, $0x38;
	[tilespmem:$0x1C000] =	vst v63  }
0xf1: {  	v3 =	vand.u32 $0x1F80, v3;
	v5 =	vshll.u32 v4, $0x1;
	_ =	swait.ge [sflag:s15], $0x2000  }
0xf2: {  	v6 =	vor.u32 s24, v5;
	v3 =	vor.u32 v3, v5;
	[sflag:s15] =	ssyncset.done $0x0  }
0xf3: {  	s22 =	simm.s32 @!p0 $0x5;
	v3 =	vor.u32 $0x1, v3;
	[sflag:s15] =	ssyncadd.s32 $0xFFFFE000  }
0xf4: {  	_ =	swait.ge @!p0 [sflag:s22], $0x8000  }
0xf5: {  	[sflag:s22] =	ssyncset.done @!p0 $0x0  }
0xf6: {  	[sflag:s22] =	ssyncadd.s32 @!p0 $0xFFFF8000  }
0xf7: {  	v5 =	vld.idx.msk [tilespmem:v6+s11+$0x0], $0xffff  }
0xf8: {  	v3 =	vld.idx.msk [tilespmem:v3+s11+$0x0], $0xffff;
	_ =	sdelay $0x4  }
0xf9: {  	v6 =	vshll.u32 v4, $0x6;
	v9 =	vand.u32 $0x7FFFFFFF, v5;
	v10 =	vand.u32 $0x7FFFFFFF, v3  }
0xfa: {  	v8 =	vand.u32 $0x40, v6;
	vm7 =	vlt.f32 v10, v9  }
0xfb: {  	v7 =	vsel vm7, $0x1, v1;
	v11 =	vsel vm7, v3, v5;
	v3 =	vsel vm7, v5, v3  }
0xfc: {  	v5 =	vsel vm7, $0x2, v2;
	vm8 =	vge.f32 v3, $0.0e+00;
	vm9 =	vge.f32 v11, $0.0e+00  }
0xfd: {  	v3 =	vsel vm8, v5, v7;
	v5 =	vsel vm9, $0x1, v1;
	v7 =	vsel vm8, $0x1, v1  }
0xfe: {  	v11 =	vadd.s32 v7, v5;
	v5 =	vsel vm7, v5, v7;
	v3 =	vshll.u32 v3, $0x3  }
0xff: {  	v5 =	vadd.s32 v5, v11;
	v3 =	vor.u32 v3, v8  }
0x100: {  	v7 =	vand.u32 $0x7F80, v6;
	v6 =	vshll.u32 v5, $0x3;
	v5 =	vor.u32 $0x20, v3  }
0x101: {  	v8 =	vor.u32 v8, v6;
	v3 =	vor.u32 v7, v5  }
0x102: {  	v6 =	vor.u32 v7, v8;
	_ =	sdelay $0x1  }
0x103: {  	s30 =	simm.s32 $0x10  }
0x104: {  	s31 =	simm.s32 $0x0;
	s22 =	sand.u32 $0x1F0, s30  }
0x105: {  	v13 =	vor.u32 s22, v0;
	v11 =	vmov s31;
	v14 =	vld.idx.msk [tilespmem:v3+s10+$0x0], $0xffff  }
0x106: {  	v12 =	vshll.u32 v13, $0x1;
	v11 =	vand.u32 $0x1F80, v11;
	v6 =	vld.idx.msk [tilespmem:v6+s10+$0x0], $0xffff  }
0x107: {  	v15 =	vor.u32 s31, v12;
	v3 =	vor.u32 v11, v12  }
0x108: {  	v11 =	vor.u32 $0x1, v3;
	v3 =	vmin.f32 v9, v10;
	v9 =	vmax.f32 v9, v10  }
0x109: {  	s24 =	simm.s32 $0x0;
	v10 =	vshll.u32 v4, $0x3;
	v4 =	vsub.f32 v9, v3  }
0x10a: {  	v9 =	vor.u32 $0x1, v7;
	v12 =	vor.u32 s24, v10  }
0x10b: {  	v16 =	vor.u32 v8, v9;
	v14 =	vmul.f32 v4, v14;
	v6 =	vmul.f32 v3, v6  }
0x10c: {  	v15 =	vld.idx.msk [tilespmem:v15+s11+$0x0], $0xffff;
	v9 =	vor.u32 v5, v9  }
0x10d: {  	v11 =	vld.idx.msk [tilespmem:v11+s11+$0x0], $0xffff;
	v6 =	vadd.f32 v14, v6;
	_ =	sdelay $0x1  }
0x10e: {  	[tilespmem:v12+s16+$0x0] =	vst.idx.msk $0xffff, v6  }
0x10f: {  	v17 =	vshll.u32 v13, $0x6;
	v12 =	vld.idx.msk [tilespmem:v16+s10+$0x0], $0xffff  }
0x110: {  	v18 =	vand.u32 $0x40, v17;
	v6 =	vmov s24;
	v9 =	vld.idx.msk [tilespmem:v9+s10+$0x0], $0xffff  }
0x111: {  	v14 =	vand.u32 $0x7FFFFFFF, v15;
	v16 =	vand.u32 $0x7FFFFFFF, v11;
	v6 =	vand.u32 $0x7F80, v6  }
0x112: {  	v20 =	vor.u32 $0x2, v7;
	vm10 =	vlt.f32 v16, v14;
	v6 =	vor.u32 v6, v10  }
0x113: {  	v10 =	vsel vm10, $0x1, v1;
	v19 =	vor.u32 $0x1, v6;
	v21 =	vsel vm10, v15, v11  }
0x114: {  	v11 =	vsel vm10, v11, v15;
	v15 =	vsel vm10, $0x2, v2;
	vm11 =	vge.f32 v21, $0.0e+00  }
0x115: {  	v21 =	vor.u32 v8, v20;
	v12 =	vmul.f32 v12, v3;
	v9 =	vmul.f32 v9, v4  }
0x116: {  	vm12 =	vge.f32 v11, $0.0e+00;
	v10 =	vsel vm11, v15, v10;
	v15 =	vor.u32 v5, v20  }
0x117: {  	v11 =	vsel vm12, $0x1, v1;
	v20 =	vsel vm11, $0x1, v1;
	v9 =	vadd.f32 v9, v12  }
0x118: {  	v10 =	vshll.u32 v10, $0x3;
	v12 =	vadd.s32 v20, v11;
	v11 =	vsel vm10, v11, v20  }
0x119: {  	v10 =	vor.u32 v10, v18;
	v12 =	vadd.s32 v11, v12;
	[tilespmem:v19+s16+$0x0] =	vst.idx.msk $0xffff, v9  }
0x11a: {  	v10 =	vor.u32 $0x20, v10;
	v11 =	vand.u32 $0x7F80, v17;
	v12 =	vshll.u32 v12, $0x3;
	v9 =	vld.idx.msk [tilespmem:v21+s10+$0x0], $0xffff  }
0x11b: {  	s25 =	simm.s32 $0x20;
	v17 =	vor.u32 v11, v10;
	v15 =	vld.idx.msk [tilespmem:v15+s10+$0x0], $0xffff;
	v12 =	vor.u32 v18, v12  }
0x11c: {  	s22 =	sand.u32 $0x1F0, s25;
	v18 =	vor.u32 v11, v12  }
0x11d: {  	v22 =	vor.u32 $0x3, v7;
	v20 =	vor.u32 s22, v0  }
0x11e: {  	s26 =	simm.s32 $0x0;
	v25 =	vor.u32 v8, v22;
	v21 =	vshll.u32 v20, $0x1  }
0x11f: {  	v24 =	vor.u32 $0x2, v6;
	v19 =	vmov s26;
	v23 =	vor.u32 s26, v21  }
0x120: {  	v19 =	vand.u32 $0x1F80, v19;
	v17 =	vld.idx.msk [tilespmem:v17+s10+$0x0], $0xffff;
	v9 =	vmul.f32 v9, v3;
	v15 =	vmul.f32 v15, v4  }
0x121: {  	v19 =	vor.u32 v19, v21;
	v21 =	vor.u32 v5, v22;
	v18 =	vld.idx.msk [tilespmem:v18+s10+$0x0], $0xffff  }
0x122: {  	v15 =	vadd.f32 v15, v9  }
0x123: {  	v19 =	vor.u32 $0x1, v19;
	v9 =	vmin.f32 v14, v16;
	v14 =	vmax.f32 v14, v16  }
0x124: {  	s28 =	simm.s32 $0x0;
	v22 =	vld.idx.msk [tilespmem:v23+s11+$0x0], $0xffff;
	v16 =	vshll.u32 v13, $0x3;
	v13 =	vsub.f32 v14, v9;
	[tilespmem:v24+s16+$0x0] =	vst.idx.msk $0xffff, v15  }
0x125: {  	v14 =	vor.u32 $0x1, v11;
	v24 =	vor.u32 s28, v16;
	v23 =	vld.idx.msk [tilespmem:v25+s10+$0x0], $0xffff  }
0x126: {  	v25 =	vor.u32 v12, v14;
	v21 =	vld.idx.msk [tilespmem:v21+s10+$0x0], $0xffff;
	v17 =	vmul.f32 v13, v17;
	v15 =	vmul.f32 v9, v18  }
0x127: {  	v14 =	vor.u32 v10, v14  }
0x128: {  	v18 =	vld.idx.msk [tilespmem:v19+s11+$0x0], $0xffff;
	v17 =	vadd.f32 v17, v15  }
0x129: {  	v26 =	vshll.u32 v20, $0x6;
	v31 =	vor.u32 $0x2, v11;
	v19 =	vmov s28  }
0x12a: {  	v28 =	vand.u32 $0x7FFFFFFF, v22;
	[tilespmem:v24+s16+$0x0] =	vst.idx.msk $0xffff, v17;
	v17 =	vor.u32 $0x3, v6;
	v24 =	vor.u32 $0x4, v7  }
0x12b: {  	v23 =	vmul.f32 v23, v3;
	v21 =	vmul.f32 v21, v4;
	v25 =	vld.idx.msk [tilespmem:v25+s10+$0x0], $0xffff;
	v27 =	vor.u32 v8, v24  }
0x12c: {  	v19 =	vand.u32 $0x7F80, v19;
	v15 =	vand.u32 $0x7F80, v26;
	v30 =	vld.idx.msk [tilespmem:v14+s10+$0x0], $0xffff;
	v24 =	vor.u32 v5, v24  }
0x12d: {  	v29 =	vand.u32 $0x7FFFFFFF, v18;
	v14 =	vor.u32 v19, v16;
	v16 =	vadd.f32 v21, v23  }
0x12e: {  	v19 =	vand.u32 $0x40, v26;
	vm13 =	vlt.f32 v29, v28;
	v21 =	vor.u32 $0x5, v7  }
0x12f: {  	v26 =	vor.u32 $0x1, v14;
	v23 =	vsel vm13, $0x1, v1;
	v51 =	vsel vm13, v22, v18;
	[tilespmem:v17+s16+$0x0] =	vst.idx.msk $0xffff, v16  }
0x130: {  	vm14 =	vge.f32 v51, $0.0e+00;
	v16 =	vsel vm13, v18, v22;
	v17 =	vsel vm13, $0x2, v2;
	v18 =	vld.idx.msk [tilespmem:v27+s10+$0x0], $0xffff  }
0x131: {  	v22 =	vor.u32 v12, v31;
	v24 =	vld.idx.msk [tilespmem:v24+s10+$0x0], $0xffff;
	v25 =	vmul.f32 v25, v9;
	v27 =	vmul.f32 v30, v13  }
0x132: {  	vm15 =	vge.f32 v16, $0.0e+00;
	v16 =	vsel vm14, v17, v23;
	v17 =	vor.u32 v10, v31  }
0x133: {  	v30 =	vsel vm14, $0x1, v1;
	v23 =	vsel vm15, $0x1, v1;
	v25 =	vadd.f32 v27, v25  }
0x134: {  	v16 =	vshll.u32 v16, $0x3;
	v27 =	vadd.s32 v30, v23;
	v23 =	vsel vm13, v23, v30  }
0x135: {  	v30 =	vor.u32 $0x4, v6;
	v16 =	vor.u32 v16, v19;
	v23 =	vadd.s32 v23, v27;
	[tilespmem:v26+s16+$0x0] =	vst.idx.msk $0xffff, v25  }
0x136: {  	v26 =	vor.u32 v8, v21;
	v25 =	vmul.f32 v18, v3;
	v24 =	vmul.f32 v24, v4  }
0x137: {  	v23 =	vshll.u32 v23, $0x3;
	v18 =	vor.u32 $0x20, v16;
	v16 =	vld.idx.msk [tilespmem:v17+s10+$0x0], $0xffff;
	v17 =	vor.u32 v5, v21  }
0x138: {  	s22 =	simm.s32 $0x30;
	v22 =	vld.idx.msk [tilespmem:v22+s10+$0x0], $0xffff;
	v19 =	vor.u32 v19, v23;
	v23 =	vor.u32 v15, v18;
	v24 =	vadd.f32 v24, v25  }
0x139: {  	v58 =	vor.u32 $0x6, v7;
	s29 =	sand.u32 $0x1F0, s22;
	v27 =	vor.u32 v15, v19  }
0x13a: {  	s30 =	simm.s32 $0x0;
	v40 =	vor.u32 $0x5, v6;
	v52 =	vor.u32 $0x2, v14;
	v21 =	vor.u32 s29, v0;
	[tilespmem:v30+s16+$0x0] =	vst.idx.msk $0xffff, v24  }
0x13b: {  	v31 =	vshll.u32 v21, $0x1;
	v25 =	vmov s30;
	v24 =	vor.u32 $0x3, v11;
	v26 =	vld.idx.msk [tilespmem:v26+s10+$0x0], $0xffff  }
0x13c: {  	v25 =	vand.u32 $0x1F80, v25;
	v30 =	vor.u32 s30, v31;
	v53 =	vor.u32 v12, v24;
	v54 =	vld.idx.msk [tilespmem:v17+s10+$0x0], $0xffff  }
0x13d: {  	v17 =	vmul.f32 v22, v9;
	v16 =	vmul.f32 v16, v13;
	v22 =	vld.idx.msk [tilespmem:v23+s10+$0x0], $0xffff;
	v23 =	vor.u32 v25, v31  }
0x13e: {  	v20 =	vshll.u32 v20, $0x3;
	v56 =	vor.u32 v10, v24;
	v27 =	vld.idx.msk [tilespmem:v27+s10+$0x0], $0xffff;
	v57 =	vor.u32 $0x1, v23  }
0x13f: {  	v23 =	vadd.f32 v16, v17;
	v17 =	vmin.f32 v28, v29;
	v16 =	vmax.f32 v28, v29  }
0x140: {  	s31 =	simm.s32 $0x0;
	v59 =	vor.u32 $0x1, v15;
	v25 =	vor.u32 v8, v58;
	v16 =	vsub.f32 v16, v17  }
0x141: {  	v55 =	vmov s31;
	[tilespmem:v52+s16+$0x0] =	vst.idx.msk $0xffff, v23;
	v24 =	vld.idx.msk [tilespmem:v30+s11+$0x0], $0xffff;
	v26 =	vmul.f32 v26, v3;
	v60 =	vmul.f32 v54, v4  }
0x142: {  	v31 =	vor.u32 s31, v20;
	v28 =	vor.u32 v19, v59;
	v23 =	vor.u32 v5, v58;
	v29 =	vld.idx.msk [tilespmem:v53+s10+$0x0], $0xffff  }
0x143: {  	v30 =	vld.idx.msk [tilespmem:v56+s10+$0x0], $0xffff;
	v61 =	vmul.f32 v17, v27;
	v62 =	vmul.f32 v16, v22;
	v63 =	vadd.f32 v60, v26  }
0x144: {  	v35 =	vand.u32 $0x7F80, v55;
	v32 =	vor.u32 v18, v59;
	v27 =	vshll.u32 v21, $0x6;
	v26 =	vld.idx.msk [tilespmem:v57+s11+$0x0], $0xffff  }
0x145: {  	s21 =	sor.u32 $0x8, s21;
	s23 =	simm.s32 $0x0;
	s24 =	simm.s32 $0x4;
	v20 =	vor.u32 v35, v20;
	v22 =	vand.u32 $0x7F80, v27;
	v33 =	vadd.f32 v62, v61;
	[tilespmem:v40+s16+$0x0] =	vst.idx.msk $0xffff, v63  }
.LBB2_5:
0x146: {  	p0 =	sne.s32 s24, $0xFF;
	v27 =	vand.u32 $0x40, v27;
	v25 =	vld.idx.msk [tilespmem:v25+s10+$0x0], $0xffff;
	v34 =	vor.u32 $0x6, v6;
	v35 =	vor.u32 $0x7, v7;
	v7 =	vmovc v11;
	v11 =	vmovc v15  }
0x147: {  	v15 =	vmovc v22;
	[tilespmem:v31+s16+$0x0] =	vst.idx.msk $0xffff, v33;
	v31 =	vor.u32 $0x3, v14;
	v33 =	vor.u32 $0x4, v7;
	v36 =	vor.u32 $0x5, v7;
	v23 =	vld.idx.msk [tilespmem:v23+s10+$0x0], $0xffff  }
0x148: {  	v22 =	vld.idx.msk [tilespmem:v28+s10+$0x0], $0xffff;
	v28 =	vmul.f32 v29, v9;
	v29 =	vmul.f32 v30, v13;
	v30 =	vor.u32 v12, v33  }
0x149: {  	v37 =	vand.u32 $0x7FFFFFFF, v24;
	v38 =	vand.u32 $0x7FFFFFFF, v26;
	v33 =	vor.u32 v10, v33;
	v32 =	vld.idx.msk [tilespmem:v32+s10+$0x0], $0xffff  }
0x14a: {  	vm0 =	vlt.f32 v38, v37;
	v28 =	vadd.f32 v29, v28;
	v29 =	vor.u32 $0x4, v14  }
0x14b: {  	v40 =	vor.u32 $0x1, v20;
	v41 =	vor.u32 $0x2, v11;
	v39 =	vsel vm0, $0x1, v1  }
0x14c: {  	v42 =	vsel vm0, v26, v24;
	v24 =	vsel vm0, v24, v26;
	v26 =	vsel vm0, $0x2, v2;
	[tilespmem:v31+s16+$0x0] =	vst.idx.msk $0xffff, v28  }
0x14d: {  	v25 =	vmul.f32 v25, v3;
	v23 =	vmul.f32 v23, v4;
	v28 =	vld.idx.msk [tilespmem:v30+s10+$0x0], $0xffff;
	v30 =	vor.u32 v8, v35  }
0x14e: {  	vm1 =	vge.f32 v24, $0.0e+00;
	v24 =	vor.u32 v19, v41;
	v31 =	vld.idx.msk [tilespmem:v33+s10+$0x0], $0xffff;
	v33 =	vor.u32 v5, v35;
	v5 =	vmovc v10  }
0x14f: {  	v22 =	vmul.f32 v22, v17;
	v32 =	vmul.f32 v32, v16;
	v23 =	vadd.f32 v23, v25;
	v10 =	vmovc v18  }
0x150: {  	vm2 =	vge.f32 v42, $0.0e+00;
	v8 =	vmovc v12;
	v12 =	vmovc v19;
	v18 =	vsel vm1, v26, v39;
	v25 =	vor.u32 v10, v41  }
0x151: {  	v19 =	vsel vm2, $0x1, v1;
	v26 =	vsel vm1, $0x1, v1;
	v22 =	vadd.f32 v32, v22;
	[tilespmem:v34+s16+$0x0] =	vst.idx.msk $0xffff, v23  }
0x152: {  	v18 =	vshll.u32 v18, $0x3;
	v23 =	vadd.s32 v26, v19;
	v19 =	vsel vm0, v19, v26;
	v26 =	vld.idx.msk [tilespmem:v30+s10+$0x0], $0xffff  }
0x153: {  	v18 =	vor.u32 v18, v27;
	v19 =	vadd.s32 v19, v23;
	[tilespmem:v40+s16+$0x0] =	vst.idx.msk $0xffff, v22;
	v22 =	vld.idx.msk [tilespmem:v33+s10+$0x0], $0xffff  }
0x154: {  	v30 =	vor.u32 v8, v36;
	v23 =	vld.idx.msk [tilespmem:v24+s10+$0x0], $0xffff;
	v24 =	vmul.f32 v28, v9;
	v28 =	vmul.f32 v31, v13  }
0x155: {  	s25 =	sshrl.u32 s24, $0x5;
	s22 =	sadd.s32 $0x10, s22;
	v18 =	vor.u32 $0x20, v18;
	v19 =	vshll.u32 v19, $0x3;
	v31 =	vor.u32 v5, v36;
	v25 =	vld.idx.msk [tilespmem:v25+s10+$0x0], $0xffff  }
0x156: {  	s26 =	sand.u32 $0x1F0, s22;
	s28 =	sshll.u32 s25, $0xA;
	v19 =	vor.u32 v27, v19;
	v27 =	vor.u32 v15, v18;
	v24 =	vadd.f32 v28, v24  }
0x157: {  	v32 =	vmov s28;
	v33 =	vor.u32 v15, v19;
	v28 =	vor.u32 s26, v0  }
0x158: {  	v32 =	vand.u32 $0x1F80, v32;
	v34 =	vshll.u32 v28, $0x1;
	[tilespmem:v29+s16+$0x0] =	vst.idx.msk $0xffff, v24;
	v24 =	vor.u32 $0x7, v6;
	v6 =	vmovc v14;
	v14 =	vmovc v20  }
0x159: {  	v26 =	vmul.f32 v26, v3;
	v3 =	vmovc v9;
	v20 =	vor.u32 $0x3, v11;
	v22 =	vmul.f32 v22, v4;
	v30 =	vld.idx.msk [tilespmem:v30+s10+$0x0], $0xffff  }
0x15a: {  	v9 =	vmovc v17;
	v29 =	vor.u32 s28, v34;
	v4 =	vmovc v13;
	v35 =	vor.u32 $0x2, v14;
	v36 =	vor.u32 v12, v20;
	v31 =	vld.idx.msk [tilespmem:v31+s10+$0x0], $0xffff  }
0x15b: {  	s26 =	sshll.u32 s23, $0xC;
	s23 =	smov.u32 s25;
	v17 =	vmul.f32 v23, v9;
	v23 =	vmul.f32 v25, v16;
	v22 =	vadd.f32 v22, v26;
	v27 =	vld.idx.msk [tilespmem:v27+s10+$0x0], $0xffff  }
0x15c: {  	v13 =	vmovc v16;
	v20 =	vor.u32 v10, v20;
	v25 =	vor.u32 v32, v34;
	v34 =	vmov s26;
	v32 =	vld.idx.msk [tilespmem:v33+s10+$0x0], $0xffff  }
0x15d: {  	v39 =	vshll.u32 v21, $0x3;
	v21 =	vmovc v28;
	v26 =	vor.u32 $0x1, v25;
	v23 =	vadd.f32 v23, v17;
	[tilespmem:v24+s16+$0x0] =	vst.idx.msk $0xffff, v22  }
0x15e: {  	v16 =	vmax.f32 v37, v38;
	v17 =	vmin.f32 v37, v38;
	v22 =	vor.u32 $0x6, v7  }
0x15f: {  	v33 =	vor.u32 $0x1, v15;
	v16 =	vsub.f32 v16, v17;
	v24 =	vld.idx.msk [tilespmem:v29+s11+$0x0], $0xffff;
	[tilespmem:v35+s16+$0x0] =	vst.idx.msk $0xffff, v23;
	v35 =	vor.u32 $0x5, v6  }
.Ltmp1:
0x160: {  	v25 =	vor.u32 v8, v22;
	v37 =	vmul.f32 v31, v4;
	v29 =	vld.idx.msk [tilespmem:v36+s10+$0x0], $0xffff;
	v36 =	vmul.f32 v30, v3;
	(pc) =	sbr.rel @p0 .LBB2_5-.Ltmp1, $4  }
0x161: {  	v28 =	vor.u32 v19, v33;
	v31 =	vor.u32 s26, v39;
	v23 =	vor.u32 v5, v22;
	v30 =	vld.idx.msk [tilespmem:v20+s10+$0x0], $0xffff  }
0x162: {  	v38 =	vmul.f32 v16, v27;
	v20 =	vmul.f32 v17, v32;
	v26 =	vld.idx.msk [tilespmem:v26+s11+$0x0], $0xffff;
	v36 =	vadd.f32 v37, v36  }
0x163: {  	v34 =	vand.u32 $0x7F80, v34;
	v27 =	vshll.u32 v21, $0x6;
	v32 =	vor.u32 v18, v33  }
0x164: {  	s24 =	sadd.s32 $0x1, s24;
	v22 =	vand.u32 $0x7F80, v27;
	v33 =	vadd.f32 v38, v20;
	v20 =	vor.u32 v34, v39;
	[tilespmem:v35+s16+$0x0] =	vst.idx.msk $0xffff, v36  }
0x165: {  	_ =	sdelay $0x1  }
0x166: {  	v34 =	vand.u32 $0x7FFFFFFF, v24;
	v35 =	vand.u32 $0x7FFFFFFF, v26  }
0x167: {  	v27 =	vand.u32 $0x40, v27;
	vm0 =	vlt.f32 v35, v34  }
0x168: {  	v36 =	vsel vm0, $0x1, v1;
	v37 =	vsel vm0, v26, v24;
	v56 =	vsel vm0, v24, v26  }
0x169: {  	v57 =	vsel vm0, $0x2, v2;
	vm1 =	vge.f32 v56, $0.0e+00;
	vm2 =	vge.f32 v37, $0.0e+00  }
0x16a: {  	v24 =	vsel vm1, v57, v36;
	v58 =	vsel vm2, $0x1, v1;
	v59 =	vsel vm1, $0x1, v1  }
0x16b: {  	v60 =	vadd.s32 v59, v58;
	v26 =	vsel vm0, v58, v59;
	v24 =	vshll.u32 v24, $0x3  }
0x16c: {  	v26 =	vadd.s32 v26, v60;
	v24 =	vor.u32 v24, v27  }
0x16d: {  	v61 =	vshll.u32 v26, $0x3;
	v26 =	vor.u32 $0x20, v24  }
0x16e: {  	v27 =	vor.u32 v27, v61;
	v24 =	vor.u32 v22, v26  }
0x16f: {  	v36 =	vor.u32 v22, v27;
	_ =	sdelay $0x3  }
0x170: {  	v62 =	vld.idx.msk [tilespmem:v24+s10+$0x0], $0xffff  }
0x171: {  	v36 =	vld.idx.msk [tilespmem:v36+s10+$0x0], $0xffff;
	_ =	sdelay $0x1  }
0x172: {  	v24 =	vmin.f32 v34, v35;
	v34 =	vmax.f32 v34, v35  }
0x173: {  	s22 =	sshll.u32 s23, $0xC;
	v63 =	vshll.u32 v21, $0x3;
	v21 =	vsub.f32 v34, v24  }
0x174: {  	v42 =	vor.u32 $0x1, v22;
	v38 =	vor.u32 s22, v63  }
0x175: {  	v39 =	vor.u32 v27, v42;
	v37 =	vmul.f32 v21, v62;
	v36 =	vmul.f32 v24, v36  }
0x176: {  	[tilespmem:v31+s16+$0x0] =	vst.idx.msk $0xffff, v33;
	v43 =	vor.u32 v26, v42  }
0x177: {  	v28 =	vld.idx.msk [tilespmem:v28+s10+$0x0], $0xffff;
	v44 =	vadd.f32 v37, v36  }
0x178: {  	v32 =	vld.idx.msk [tilespmem:v32+s10+$0x0], $0xffff  }
0x179: {  	[tilespmem:v38+s16+$0x0] =	vst.idx.msk $0xffff, v44  }
0x17a: {  	v33 =	vld.idx.msk [tilespmem:v39+s10+$0x0], $0xffff  }
0x17b: {  	v48 =	vmov s22;
	v31 =	vld.idx.msk [tilespmem:v43+s10+$0x0], $0xffff  }
0x17c: {  	v45 =	vor.u32 $0x2, v15;
	v46 =	vor.u32 $0x1, v20;
	v50 =	vand.u32 $0x7F80, v48  }
0x17d: {  	v49 =	vmul.f32 v28, v17;
	v32 =	vmul.f32 v32, v16;
	v34 =	vor.u32 v18, v45  }
0x17e: {  	v47 =	vor.u32 v19, v45;
	v28 =	vor.u32 v50, v63  }
0x17f: {  	v51 =	vor.u32 $0x2, v22;
	v32 =	vadd.f32 v32, v49;
	v35 =	vor.u32 $0x1, v28  }
0x180: {  	v52 =	vor.u32 v27, v51;
	v33 =	vmul.f32 v33, v24;
	v31 =	vmul.f32 v31, v21  }
0x181: {  	v53 =	vor.u32 v26, v51;
	[tilespmem:v46+s16+$0x0] =	vst.idx.msk $0xffff, v32  }
0x182: {  	v54 =	vld.idx.msk [tilespmem:v34+s10+$0x0], $0xffff;
	v31 =	vadd.f32 v31, v33  }
0x183: {  	v36 =	vld.idx.msk [tilespmem:v47+s10+$0x0], $0xffff  }
0x184: {  	[tilespmem:v35+s16+$0x0] =	vst.idx.msk $0xffff, v31  }
0x185: {  	v31 =	vld.idx.msk [tilespmem:v52+s10+$0x0], $0xffff  }
0x186: {  	v32 =	vld.idx.msk [tilespmem:v53+s10+$0x0], $0xffff  }
0x187: {  	v55 =	vor.u32 $0x3, v15;
	v56 =	vor.u32 $0x2, v20  }
0x188: {  	v57 =	vor.u32 v19, v55;
	v36 =	vmul.f32 v36, v17;
	v33 =	vmul.f32 v54, v16  }
0x189: {  	v34 =	vor.u32 v18, v55  }
0x18a: {  	v58 =	vor.u32 $0x3, v22;
	v59 =	vor.u32 $0x2, v28;
	v33 =	vadd.f32 v33, v36  }
0x18b: {  	v60 =	vor.u32 v27, v58;
	v31 =	vmul.f32 v31, v24;
	v32 =	vmul.f32 v32, v21  }
0x18c: {  	v61 =	vor.u32 v26, v58;
	[tilespmem:v56+s16+$0x0] =	vst.idx.msk $0xffff, v33  }
0x18d: {  	v35 =	vld.idx.msk [tilespmem:v57+s10+$0x0], $0xffff;
	v31 =	vadd.f32 v32, v31  }
0x18e: {  	v62 =	vld.idx.msk [tilespmem:v34+s10+$0x0], $0xffff  }
0x18f: {  	v29 =	vmul.f32 v29, v9;
	v30 =	vmul.f32 v30, v13;
	[tilespmem:v59+s16+$0x0] =	vst.idx.msk $0xffff, v31  }
0x190: {  	v63 =	vor.u32 $0x3, v14;
	v42 =	vor.u32 $0x4, v11;
	v44 =	vld.idx.msk [tilespmem:v60+s10+$0x0], $0xffff  }
0x191: {  	v29 =	vadd.f32 v30, v29;
	v36 =	vor.u32 v10, v42;
	v33 =	vld.idx.msk [tilespmem:v61+s10+$0x0], $0xffff  }
0x192: {  	v46 =	vor.u32 $0x4, v15;
	v45 =	vor.u32 $0x3, v20;
	v43 =	vor.u32 v12, v42  }
0x193: {  	v47 =	vor.u32 v19, v46;
	v35 =	vmul.f32 v35, v17;
	v32 =	vmul.f32 v62, v16  }
0x194: {  	v48 =	vor.u32 v18, v46  }
0x195: {  	v50 =	vor.u32 $0x4, v22;
	v49 =	vor.u32 $0x3, v28;
	[tilespmem:v63+s16+$0x0] =	vst.idx.msk $0xffff, v29;
	v32 =	vadd.f32 v32, v35  }
0x196: {  	v51 =	vor.u32 v27, v50;
	v36 =	vld.idx.msk [tilespmem:v36+s10+$0x0], $0xffff;
	v37 =	vmul.f32 v44, v24;
	v33 =	vmul.f32 v33, v21  }
0x197: {  	v52 =	vor.u32 v26, v50;
	v31 =	vld.idx.msk [tilespmem:v43+s10+$0x0], $0xffff;
	[tilespmem:v45+s16+$0x0] =	vst.idx.msk $0xffff, v32  }
0x198: {  	v32 =	vld.idx.msk [tilespmem:v47+s10+$0x0], $0xffff;
	v33 =	vadd.f32 v33, v37  }
0x199: {  	v29 =	vld.idx.msk [tilespmem:v48+s10+$0x0], $0xffff  }
0x19a: {  	[tilespmem:v49+s16+$0x0] =	vst.idx.msk $0xffff, v33  }
0x19b: {  	v58 =	vor.u32 $0x5, v15;
	v54 =	vor.u32 $0x4, v14;
	v53 =	vor.u32 $0x5, v11;
	v57 =	vld.idx.msk [tilespmem:v51+s10+$0x0], $0xffff  }
0x19c: {  	v56 =	vor.u32 v12, v53;
	v55 =	vmul.f32 v36, v13;
	v31 =	vmul.f32 v31, v9;
	v30 =	vld.idx.msk [tilespmem:v52+s10+$0x0], $0xffff  }
0x19d: {  	v35 =	vor.u32 v10, v53;
	v59 =	vor.u32 $0x4, v20;
	v60 =	vor.u32 v19, v58  }
0x19e: {  	v31 =	vadd.f32 v55, v31;
	v32 =	vmul.f32 v32, v17;
	v29 =	vmul.f32 v29, v16  }
0x19f: {  	v61 =	vor.u32 v18, v58  }
0x1a0: {  	v40 =	vor.u32 $0x4, v28;
	v63 =	vor.u32 $0x5, v22;
	[tilespmem:v54+s16+$0x0] =	vst.idx.msk $0xffff, v31;
	v29 =	vadd.f32 v29, v32  }
0x1a1: {  	v41 =	vor.u32 v27, v63;
	v62 =	vld.idx.msk [tilespmem:v56+s10+$0x0], $0xffff;
	v36 =	vmul.f32 v57, v24;
	v30 =	vmul.f32 v30, v21  }
0x1a2: {  	v42 =	vor.u32 v26, v63;
	v35 =	vld.idx.msk [tilespmem:v35+s10+$0x0], $0xffff;
	[tilespmem:v59+s16+$0x0] =	vst.idx.msk $0xffff, v29  }
0x1a3: {  	v43 =	vld.idx.msk [tilespmem:v60+s10+$0x0], $0xffff;
	v30 =	vadd.f32 v30, v36  }
0x1a4: {  	v31 =	vld.idx.msk [tilespmem:v61+s10+$0x0], $0xffff  }
0x1a5: {  	[tilespmem:v40+s16+$0x0] =	vst.idx.msk $0xffff, v30  }
0x1a6: {  	v50 =	vor.u32 $0x6, v15;
	v45 =	vor.u32 $0x5, v14;
	v44 =	vor.u32 $0x6, v11;
	v49 =	vld.idx.msk [tilespmem:v41+s10+$0x0], $0xffff  }
0x1a7: {  	v48 =	vor.u32 v12, v44;
	v46 =	vmul.f32 v62, v9;
	v47 =	vmul.f32 v35, v13;
	v29 =	vld.idx.msk [tilespmem:v42+s10+$0x0], $0xffff  }
0x1a8: {  	v25 =	vld.idx.msk [tilespmem:v25+s10+$0x0], $0xffff;
	v51 =	vor.u32 $0x5, v20;
	v52 =	vor.u32 v19, v50;
	v36 =	vor.u32 v10, v44  }
0x1a9: {  	v23 =	vld.idx.msk [tilespmem:v23+s10+$0x0], $0xffff;
	v32 =	vmul.f32 v43, v17;
	v31 =	vmul.f32 v31, v16;
	v30 =	vadd.f32 v47, v46  }
0x1aa: {  	v53 =	vor.u32 v18, v50  }
0x1ab: {  	v55 =	vor.u32 $0x6, v22;
	v56 =	vor.u32 $0x5, v28;
	v31 =	vadd.f32 v31, v32;
	[tilespmem:v45+s16+$0x0] =	vst.idx.msk $0xffff, v30  }
0x1ac: {  	v57 =	vor.u32 v27, v55;
	v54 =	vld.idx.msk [tilespmem:v48+s10+$0x0], $0xffff;
	v35 =	vmul.f32 v49, v24;
	v29 =	vmul.f32 v29, v21  }
0x1ad: {  	v7 =	vor.u32 $0x7, v7;
	v58 =	vor.u32 v26, v55;
	[tilespmem:v51+s16+$0x0] =	vst.idx.msk $0xffff, v31;
	v36 =	vld.idx.msk [tilespmem:v36+s10+$0x0], $0xffff  }
0x1ae: {  	v25 =	vmul.f32 v25, v3;
	v23 =	vmul.f32 v23, v4;
	v59 =	vld.idx.msk [tilespmem:v52+s10+$0x0], $0xffff;
	v29 =	vadd.f32 v29, v35  }
0x1af: {  	v8 =	vor.u32 v8, v7;
	v30 =	vld.idx.msk [tilespmem:v53+s10+$0x0], $0xffff  }
0x1b0: {  	v5 =	vor.u32 v5, v7;
	v39 =	vadd.f32 v23, v25;
	v60 =	vor.u32 $0x6, v6;
	[tilespmem:v56+s16+$0x0] =	vst.idx.msk $0xffff, v29  }
0x1b1: {  	v50 =	vor.u32 $0x7, v22;
	v61 =	vor.u32 $0x6, v14;
	v62 =	vor.u32 $0x7, v11;
	v34 =	vld.idx.msk [tilespmem:v57+s10+$0x0], $0xffff  }
0x1b2: {  	v27 =	vor.u32 v27, v50;
	v44 =	vor.u32 $0x6, v20;
	v40 =	vor.u32 v12, v62;
	v41 =	vld.idx.msk [tilespmem:v58+s10+$0x0], $0xffff  }
0x1b3: {  	v42 =	vor.u32 v10, v62;
	v63 =	vmul.f32 v54, v9;
	v36 =	vmul.f32 v36, v13  }
0x1b4: {  	v45 =	vor.u32 $0x7, v15;
	v46 =	vmul.f32 v59, v17;
	v30 =	vmul.f32 v30, v16  }
0x1b5: {  	[tilespmem:v60+s16+$0x0] =	vst.idx.msk $0xffff, v39;
	v47 =	vor.u32 v19, v45;
	v43 =	vadd.f32 v36, v63  }
0x1b6: {  	v8 =	vld.idx.msk [tilespmem:v8+s10+$0x0], $0xffff;
	v15 =	vor.u32 v18, v45;
	v49 =	vor.u32 $0x6, v28;
	v48 =	vadd.f32 v30, v46  }
0x1b7: {  	v5 =	vld.idx.msk [tilespmem:v5+s10+$0x0], $0xffff;
	[tilespmem:v61+s16+$0x0] =	vst.idx.msk $0xffff, v43;
	v51 =	vmul.f32 v34, v24;
	v23 =	vmul.f32 v41, v21  }
0x1b8: {  	v19 =	vor.u32 v26, v50;
	v12 =	vld.idx.msk [tilespmem:v40+s10+$0x0], $0xffff  }
0x1b9: {  	[tilespmem:v44+s16+$0x0] =	vst.idx.msk $0xffff, v48;
	v10 =	vld.idx.msk [tilespmem:v42+s10+$0x0], $0xffff;
	v52 =	vadd.f32 v23, v51  }
0x1ba: {  	v7 =	vld.idx.msk [tilespmem:v47+s10+$0x0], $0xffff  }
0x1bb: {  	v15 =	vld.idx.msk [tilespmem:v15+s10+$0x0], $0xffff;
	[tilespmem:v49+s16+$0x0] =	vst.idx.msk $0xffff, v52  }
0x1bc: {  	v11 =	vld.idx.msk [tilespmem:v27+s10+$0x0], $0xffff  }
0x1bd: {  	v3 =	vmul.f32 v8, v3;
	v53 =	vmul.f32 v5, v4;
	v54 =	vld.idx.msk [tilespmem:v19+s10+$0x0], $0xffff  }
0x1be: {  	v55 =	vor.u32 $0x7, v6  }
0x1bf: {  	v3 =	vadd.f32 v53, v3;
	v56 =	vor.u32 $0x7, v14  }
0x1c0: {  	v59 =	vor.u32 $0x7, v20;
	v57 =	vmul.f32 v12, v9;
	v58 =	vmul.f32 v10, v13  }
0x1c1: {  	v61 =	vor.u32 $0x7, v28;
	v7 =	vmul.f32 v7, v17;
	v60 =	vmul.f32 v15, v16  }
0x1c2: {  	v8 =	vadd.f32 v58, v57;
	v62 =	vmul.f32 v11, v24;
	v5 =	vmul.f32 v54, v21  }
0x1c3: {  	s20 =	sadd.s32 $0x1, s20;
	[tilespmem:v55+s16+$0x0] =	vst.idx.msk $0xffff, v3;
	v3 =	vadd.f32 v60, v7  }
0x1c4: {  	s23 =	simm.s32 @!p1 $0x0;
	p0 =	sne.s32 s20, $0x8;
	[tilespmem:v56+s16+$0x0] =	vst.idx.msk $0xffff, v8;
	v63 =	vadd.f32 v5, v62  }
.Ltmp2:
0x1c5: {  	s31 =	sshll.u32 s21, $0x9;
	s22 =	sshll.u32 @!p1 s21, $0x7;
	[tilespmem:v59+s16+$0x0] =	vst.idx.msk $0xffff, v3;
	(pc) =	sbr.rel @p0 .LBB2_2-.Ltmp2, $4  }
0x1c6: {  	s24 =	simm.s32 @!p1 $0x2000;
	s21 =	sand.u32 $0x1FFFF000, s31;
	s22 =	sadd.s32 @!p1 s22, s8;
	[tilespmem:v61+s16+$0x0] =	vst.idx.msk $0xffff, v63  }
0x1c7: {  	[tilespmem:s24], [sflag:$0x3] =	stream.linear.gather @!p1 [hbm4b:s22+s23], $0x2000, $0x38;
	[tilespmem:$0x1C000] =	vst v63  }
0x1c8: {  	s21 =	sadd.s32 s3, s21  }
0x1c9: {  	[hbm4b:s21+s4] =	stream.linear.scatter [tilespmem:s16], [sflag:$0x5], $0x8000, $0x38;
	[tilespmem:$0x1C000] =	vst v63  }
0x1ca: {  	s19 =	sadd.s32 $0x1, s19  }
0x1cb: {  	_ =	swait.ge [sflag:s17], $0x8000;
	p0 =	sne.s32 s19, s9  }
.Ltmp3:
0x1cc: {  	[sflag:s17] =	ssyncset.done $0x0;
	(pc) =	sbr.rel @p0 .LBB2_1-.Ltmp3, $4  }
0x1cd: {  	[sflag:s17] =	ssyncadd.s32 $0xFFFF8000  }
0x1ce: {  	_ =	swait.ge [sflag:s18], $0x8000  }
0x1cf: {  	[sflag:s18] =	ssyncset.done $0x0  }
0x1d0: {  	[sflag:s18] =	ssyncadd.s32 $0xFFFF8000  }
0x1d1: {  	_ =	sfence.sel $0x180000  }
0x1d2: {  	[bflag:$0x0] =	sbarrier.arrive $0xFFFF  }
0x1d3: {  	p0 =	sne.s32 s0, $0x0;
	_ =	strace $0x90000047  }
0x1d4: {  	s0 =	sadd.s32 @!p0 $0x100000, s1;
	[bflag:$0x2] =	sbarrier.arrive $0xFFFF  }
0x1d5: {  	[sflag:s0] =	ssyncadd.tile.s32 @!p0 $0x1;
	_ =	shalt  }
.Lfunc_end2:
_tile_overlayer_lowered:
.L_overlay_start_2:
0x1d6: {  	(tag) =	ssettag $0x2  }
0x1d7: {  	s0 =	rddreg [dreg:$0x0];
	s2 =	stileid.u32  }
0x1d8: {  	s1 =	rddreg [dreg:$0x1];
	p0 =	sne.s32 s2, $0x0  }
0x1d9: {  	s3 =	rddreg [dreg:$0x2];
	[bflag:$0x3] =	sbarrier.arrive $0xFFFF;
	s2 =	simm.s32 @!p0 $0x1C06  }
0x1da: {  	[timem:s3], [sflag:s2] =	dma.local @!p0 [hbm:s0], s1  }
0x1db: {  	s0 =	simm.s32 @!p0 $0x6  }
0x1dc: {  	_ =	swait.ge @!p0 [sflag:s0], s1  }
0x1dd: {  	s1 =	ssub.s32 @!p0 $0x0, s1;
	[sflag:s0] =	ssyncset.done @!p0 $0x0  }
0x1de: {  	[sflag:s0] =	ssyncadd.s32 @!p0 s1  }
0x1df: {  	[bflag:$0x3] =	sbarrier.arrive $0xFFFF  }
0x1e0: {  	_ =	shalt  }

</sc_bundles>
